<compile_context>
chip_gen: v7x
topology: tpu7x:2x2x1
jax: 0.10.2.dev20260603
libtpu: 0.0.44.dev20260713+nightly
codegen_flags: <defaults>
</compile_context>

<pallas_src>
import dataclasses
import functools

import jax
import jax.numpy as jnp
from jax import lax
from jax.experimental import pallas as pl
from jax.experimental.pallas import tpu as pltpu
from jax.experimental.pallas import tpu_sc as plsc

N = 10000
E = 320000
D = 128
A = 64
H = 128
G = 128

NC = 2
NS = 16
NW = NC * NS
CH = 128
NCHUNK = 80
SUBC = 16
TSUP = NW * NCHUNK // SUBC
SUP_PT = TSUP // NW
EPT = CH * NCHUNK
EPAD = EPT * NW
NPAD = 10240
RPT = NPAD // NS


@functools.cache
def _sc_kernels():
    mesh = plsc.VectorSubcoreMesh(core_axis_name="c", subcore_axis_name="s",
                                  num_cores=NC)
    cp = pltpu.CompilerParams()
    if "needs_layout_passes" in pltpu.CompilerParams.__dataclass_fields__:
        cp = dataclasses.replace(cp, needs_layout_passes=False)

    @functools.partial(
        pl.kernel,
        out_type=jax.ShapeDtypeStruct((NW, NPAD), jnp.float32),
        mesh=mesh,
        compiler_params=cp,
        scratch_types=[
            pltpu.VMEM((NCHUNK, CH), jnp.int32),
            pltpu.VMEM((NPAD,), jnp.float32),
        ],
    )
    def sc_degree(dst_hbm, hist_hbm, dst_v, hist_v):
        c = lax.axis_index("c")
        s = lax.axis_index("s")
        wid = c * NS + s
        pltpu.sync_copy(dst_hbm.at[wid], dst_v)

        @pl.loop(0, NPAD // 16)
        def _(i):
            hist_v[pl.ds(i * 16, 16)] = jnp.zeros((16,), jnp.float32)

        ones = jnp.ones((16,), jnp.float32)

        @pl.loop(0, NCHUNK)
        def _(j):
            @pl.loop(0, CH // 16)
            def _(g):
                idx = dst_v[j, pl.ds(g * 16, 16)]
                plsc.addupdate_scatter(hist_v, [idx], ones)

        pltpu.sync_copy(hist_v, hist_hbm.at[wid])

    @functools.partial(
        pl.kernel,
        out_type=jax.ShapeDtypeStruct((NC, NPAD, H), jnp.float32),
        mesh=mesh,
        scratch_types=[
            pltpu.VMEM((SUBC, CH), jnp.int32),
            pltpu.VMEM((SUBC, CH), jnp.int32),
            pltpu.VMEM((CH, H), jnp.float32),
            pltpu.VMEM((CH, H), jnp.float32),
            pltpu.SemaphoreType.DMA,
            pltpu.SemaphoreType.DMA,
            pltpu.SemaphoreType.DMA,
            pltpu.SemaphoreType.DMA,
            pltpu.VMEM_SHARED((NPAD, H), jnp.float32),
        ],
    )
    def sc_scatter(y_hbm, src_hbm, dst_hbm, zer_hbm, acc_hbm,
                   src_i, dst_i, b0, b1, g0, g1, s0, s1, acc_sh):
        c = lax.axis_index("c")
        s = lax.axis_index("s")
        bufs = (b0, b1)
        gsem = (g0, g1)
        ssem = (s0, s1)

        def gather_start(k, b):
            pltpu.async_copy(y_hbm.at[src_i.at[k]], bufs[b], gsem[b])

        def gather_wait(b):
            pltpu.make_async_copy(y_hbm.at[src_i.at[0]], bufs[b], gsem[b]).wait()

        def scatter_start(k, b):
            pltpu.async_copy(bufs[b], acc_sh.at[dst_i.at[k]], ssem[b], add=True)

        def scatter_wait(b):
            pltpu.make_async_copy(bufs[b], acc_sh.at[dst_i.at[0]], ssem[b]).wait()

        def run(nsup, supbase):
            @pl.loop(0, nsup)
            def _(g):
                sup = supbase + g
                pltpu.sync_copy(src_hbm.at[sup], src_i)
                pltpu.sync_copy(dst_hbm.at[sup], dst_i)
                gather_start(0, 0)
                gather_start(1, 1)
                for k in range(SUBC):
                    b = k % 2
                    gather_wait(b)
                    scatter_start(k, b)
                    if k + 2 < SUBC:
                        scatter_wait(b)
                        gather_start(k + 2, b)
                scatter_wait(0)
                scatter_wait(1)

        pltpu.sync_copy(zer_hbm, acc_sh.at[pl.ds(s * RPT, RPT)])
        plsc.subcore_barrier()
        run(SUP_PT, (c * NS + s) * SUP_PT)
        plsc.subcore_barrier()
        pltpu.sync_copy(acc_sh.at[pl.ds(s * RPT, RPT)],
                        acc_hbm.at[c, pl.ds(s * RPT, RPT)])

    return sc_degree, sc_scatter



_P = lax.Precision.HIGHEST


def _dotT(a, b):
    return lax.dot_general(a, b, (((1,), (1,)), ((), ())),
                           preferred_element_type=jnp.float32, precision=_P)


def _bn(h, g, b):
    mu = jnp.mean(h, axis=0, keepdims=True)
    var = jnp.mean((h - mu) ** 2, axis=0, keepdims=True)
    return (h - mu) * lax.rsqrt(var + 1e-5) * g + b


def _tc_dense1_body(x_ref, act_ref, wg_ref, bg_ref, w2_ref, b2_ref,
                    g2_ref, be2_ref, w3b_ref, sup_ref, z2_ref):
    sup_ref[...] = _dotT(x_ref[...], wg_ref[...]) + bg_ref[...]
    h2 = jax.nn.relu(_dotT(act_ref[...], w2_ref[...]) + b2_ref[...])
    h2n = _bn(h2, g2_ref[...], be2_ref[...])
    z2_ref[...] = jnp.sum(h2n * w3b_ref[...], axis=1, keepdims=True)


def _tc_scale_body(sup_ref, hist_ref, y_ref, dinv_ref):
    deg = jnp.sum(hist_ref[:, :N], axis=0)[:, None] + 1.0
    dinv = lax.rsqrt(deg)
    dinv_ref[...] = dinv
    y_ref[...] = sup_ref[...] * dinv


def _tc_final_body(acc_ref, y_ref, dinv_ref, z2_ref, batch_ref, w1_ref,
                   b1_ref, g0_ref, be0_ref, g1_ref, be1_ref, w3a_ref,
                   b3_ref, out_ref):
    aggr = acc_ref[0, :N, :] + acc_ref[1, :N, :] + y_ref[...]
    h0 = jax.nn.relu(aggr * dinv_ref[...])
    h0n = _bn(h0, g0_ref[...], be0_ref[...])
    h1 = jax.nn.relu(_dotT(h0n, w1_ref[...]) + b1_ref[...])
    h1n = _bn(h1, g1_ref[...], be1_ref[...])
    z = jnp.sum(h1n * w3a_ref[...], axis=1, keepdims=True) + z2_ref[...]
    zc = jnp.concatenate([z, jnp.ones_like(z)], axis=1)
    gid = lax.broadcasted_iota(jnp.int32, (G, N), 0)
    onehot = (batch_ref[...] == gid).astype(jnp.float32)
    sc = lax.dot_general(onehot, zc, (((1,), (0,)), ((), ())),
                         preferred_element_type=jnp.float32, precision=_P)
    out_ref[...] = sc[:, 0:1] / jnp.maximum(sc[:, 1:2], 1.0) + b3_ref[...]


_tc_dense1 = pl.pallas_call(
    _tc_dense1_body,
    out_shape=[jax.ShapeDtypeStruct((N, H), jnp.float32),
               jax.ShapeDtypeStruct((N, 1), jnp.float32)],
)

_tc_scale = pl.pallas_call(
    _tc_scale_body,
    out_shape=[jax.ShapeDtypeStruct((N, H), jnp.float32),
               jax.ShapeDtypeStruct((N, 1), jnp.float32)],
)

_tc_final = pl.pallas_call(
    _tc_final_body,
    out_shape=jax.ShapeDtypeStruct((G, 1), jnp.float32),
)


def kernel(x, edge_index, batch_size, action, W_gcn, b_gcn, bn0_g, bn0_b,
           W1, b1, bn1_g, bn1_b, W2, b2, bn2_g, bn2_b, W3, b3):
    src = edge_index[0]
    dst = edge_index[1]
    pad = EPAD - E
    arp = jnp.arange(pad, dtype=jnp.int32)
    src_p = jnp.concatenate([src, arp % N])
    dst_p = jnp.concatenate([dst, N + arp % (NPAD - N)])
    src_p = src_p.reshape(NW, NCHUNK, CH)
    dst_p = dst_p.reshape(NW, NCHUNK, CH)
    src_s = src_p.reshape(TSUP, SUBC, CH)
    dst_s = dst_p.reshape(TSUP, SUBC, CH)

    zerH = jnp.zeros((RPT, H), jnp.float32)

    sc_degree, sc_scatter = _sc_kernels()
    hist = sc_degree(dst_p)

    support, z2 = _tc_dense1(
        x, action, W_gcn, b_gcn.reshape(1, H), W2, b2.reshape(1, H),
        bn2_g.reshape(1, H), bn2_b.reshape(1, H), W3[:, H:2 * H])

    y, dinv = _tc_scale(support, hist)

    acc = sc_scatter(y, src_s, dst_s, zerH)

    qval = _tc_final(
        acc, y, dinv, z2, batch_size.reshape(1, N), W1, b1.reshape(1, H),
        bn0_g.reshape(1, H), bn0_b.reshape(1, H), bn1_g.reshape(1, H),
        bn1_b.reshape(1, H), W3[:, :H], b3.reshape(1, 1))
    return qval

# --- scband reference (transcript-rebuilt; emitter-appended) ---
"""Pipeline reference for scband-critic-50276887167257 (READ-ONLY COPY).

The authoritative reference and input builder live on the scoring server;
editing this copy changes nothing except your own understanding.
"""

import jax, jax.numpy as jnp
import numpy as np

N = 10000
E = 320000
D = 128
A = 64
H = 128
G = 128


def setup_inputs(seed: int = 0) -> dict:
    key = jax.random.key(seed)
    ks = jax.random.split(key, 12)
    inp = {}
    inp['x'] = jax.random.normal(ks[0], (N, D), dtype=jnp.float32)
    inp['edge_index'] = jax.random.randint(ks[1], (2, E), 0, N, dtype=jnp.int32)
    inp['batch_size'] = jnp.sort(jax.random.randint(ks[2], (N,), 0, G, dtype=jnp.int32))
    inp['action'] = jax.random.normal(ks[3], (N, A), dtype=jnp.float32)
    # GCNCell linear: state_dim -> HIDDEN_LAYER
    inp['W_gcn'] = jax.random.normal(ks[4], (H, D), dtype=jnp.float32) * (1.0 / np.sqrt(D))
    inp['b_gcn'] = jnp.zeros((H,), dtype=jnp.float32)
    # bn0
    inp['bn0_g'] = jnp.ones((H,), dtype=jnp.float32)
    inp['bn0_b'] = jnp.zeros((H,), dtype=jnp.float32)
    # fc1: H -> H, init normal std=0.1
    inp['W1'] = jax.random.normal(ks[5], (H, H), dtype=jnp.float32) * 0.1
    inp['b1'] = jnp.zeros((H,), dtype=jnp.float32)
    inp['bn1_g'] = jnp.ones((H,), dtype=jnp.float32)
    inp['bn1_b'] = jnp.zeros((H,), dtype=jnp.float32)
    # fc2: action_dim -> H, init normal std=0.1
    inp['W2'] = jax.random.normal(ks[6], (H, A), dtype=jnp.float32) * 0.1
    inp['b2'] = jnp.zeros((H,), dtype=jnp.float32)
    inp['bn2_g'] = jnp.ones((H,), dtype=jnp.float32)
    inp['bn2_b'] = jnp.zeros((H,), dtype=jnp.float32)
    # fc3: 2H -> 1, init normal std=0.1
    inp['W3'] = jax.random.normal(ks[7], (1, 2 * H), dtype=jnp.float32) * 0.1
    inp['b3'] = jnp.zeros((1,), dtype=jnp.float32)
    return inp


def _batch_norm(h, g, b, eps=1e-5):
    mu = jnp.mean(h, axis=0)
    var = jnp.var(h, axis=0)  # biased, matches torch BN normalization
    return (h - mu) / jnp.sqrt(var + eps) * g + b


def _gcn(x, edge_index, W, b):
    n = x.shape[0]
    loop = jnp.arange(n, dtype=edge_index.dtype)
    src = jnp.concatenate([edge_index[0], loop])
    dst = jnp.concatenate([edge_index[1], loop])
    deg = jax.ops.segment_sum(jnp.ones_like(src, dtype=x.dtype), dst, num_segments=n)
    dinv = 1.0 / jnp.sqrt(jnp.maximum(deg, 1.0))
    support = x @ W.T + b
    msg = support[src] * (dinv[src] * dinv[dst])[:, None]
    return jax.ops.segment_sum(msg, dst, num_segments=n)


def reference(x, edge_index, batch_size, action, W_gcn, b_gcn, bn0_g, bn0_b, W1, b1, bn1_g, bn1_b, W2, b2, bn2_g, bn2_b, W3, b3):
    h0 = jax.nn.relu(_gcn(x, edge_index, W_gcn, b_gcn))
    h0n = _batch_norm(h0, bn0_g, bn0_b)
    h1 = jax.nn.relu(h0n @ W1.T + b1)
    h1n = _batch_norm(h1, bn1_g, bn1_b)
    h2 = jax.nn.relu(action @ W2.T + b2)
    h2n = _batch_norm(h2, bn2_g, bn2_b)
    cat = jnp.concatenate([h1n, h2n], axis=1)
    s = jax.ops.segment_sum(cat, batch_size, num_segments=G)
    cnt = jax.ops.segment_sum(jnp.ones((cat.shape[0],), cat.dtype), batch_size, num_segments=G)
    pooled = s / jnp.maximum(cnt, 1.0)[:, None]
    qval = pooled @ W3.T + b3
    return qval

if __name__ == "__main__":
    import jax
    _d = setup_inputs()
    print(jax.jit(kernel)(*tuple(_d.values())))

</pallas_src>

<mosaic_0001>
#map = affine_map<(d0, d1) -> (0, 0)>
#map1 = affine_map<(d0, d1) -> (0, 0, 0)>
module attributes {stable_mosaic.version = 14 : i64} {
  func.func @sc_scatter(%arg0: i32, %arg1: i32, %arg2: memref<10000x128xf32, #tpu.memory_space<hbm>>, %arg3: memref<160x16x128xi32, #tpu.memory_space<hbm>>, %arg4: memref<160x16x128xi32, #tpu.memory_space<hbm>>, %arg5: memref<640x128xf32, #tpu.memory_space<hbm>>, %arg6: memref<2x10240x128xf32, #tpu.memory_space<hbm>>, %arg7: memref<16x128xi32, #tpu.memory_space<vmem>>, %arg8: memref<16x128xi32, #tpu.memory_space<vmem>>, %arg9: memref<128x128xf32, #tpu.memory_space<vmem>>, %arg10: memref<128x128xf32, #tpu.memory_space<vmem>>, %arg11: memref<!tpu.dma_semaphore, #tpu.memory_space<semaphore_mem>>, %arg12: memref<!tpu.dma_semaphore, #tpu.memory_space<semaphore_mem>>, %arg13: memref<!tpu.dma_semaphore, #tpu.memory_space<semaphore_mem>>, %arg14: memref<!tpu.dma_semaphore, #tpu.memory_space<semaphore_mem>>, %arg15: memref<10240x128xf32, #tpu.memory_space<vmem_shared>>) attributes {dimension_semantics = [#tpu.dimension_semantics<core_parallel>, #tpu.dimension_semantics<subcore_parallel>], iteration_bounds = array<i64: 2, 16>, scalar_prefetch = 0 : i64, scratch_operands = 9 : i64, tpu.core_type = #tpu.core_type<sc_vector_subcore>, window_params = [{transform_indices = #map}, {transform_indices = #map1}, {transform_indices = #map1}, {transform_indices = #map}, {transform_indices = #map1}]} {
    %mul3A = arith.constant 640 : i32
    %mul3A_0 = arith.muli %arg1, %mul3A : i32
    "tpu.region"() ({
      %run_scoped3A = tpu.sem_alloc : memref<!tpu.dma_semaphore, #tpu.memory_space<semaphore_mem>>
      %dma_start3A = arith.constant 0 : i32
      %dma_start3A_14 = tpu.memref_slice %arg15[%mul3A_0, %dma_start3A] : memref<10240x128xf32, #tpu.memory_space<vmem_shared>> -> memref<640x128xf32, #tpu.memory_space<vmem_shared>>
      tpu.enqueue_dma source(%arg5 : memref<640x128xf32, #tpu.memory_space<hbm>>) target(%dma_start3A_14 : memref<640x128xf32, #tpu.memory_space<vmem_shared>>) target_semaphore(%run_scoped3A : memref<!tpu.dma_semaphore, #tpu.memory_space<semaphore_mem>>)
      %dma_wait3A = arith.constant 0 : i32
      %dma_wait3A_15 = tpu.memref_slice %arg15[%mul3A_0, %dma_wait3A] : memref<10240x128xf32, #tpu.memory_space<vmem_shared>> -> memref<640x128xf32, #tpu.memory_space<vmem_shared>>
      tpu.wait_dma2 semaphore(%run_scoped3A : memref<!tpu.dma_semaphore, #tpu.memory_space<semaphore_mem>>) src(%arg5 : memref<640x128xf32, #tpu.memory_space<hbm>>) dst(%dma_wait3A_15 : memref<640x128xf32, #tpu.memory_space<vmem_shared>>)
      tpu.yield
    }) : () -> ()
    %barrier3A = arith.constant 0 : index
    tpu.barrier barrier_id(%barrier3A)
    %mul3A_1 = arith.constant 16 : i32
    %mul3A_2 = arith.muli %arg0, %mul3A_1 : i32
    %add3A = arith.addi %mul3A_2, %arg1 : i32
    %mul3A_3 = arith.constant 5 : i32
    %mul3A_4 = arith.muli %add3A, %mul3A_3 : i32
    %scan3A = arith.constant 0 : i32
    %scan3A_5 = arith.constant 5 : i32
    %scan3A_6 = arith.addi %scan3A, %scan3A_5 : i32
    %scan3A_7 = arith.constant 1 : i32
    scf.for %scan3A_14 = %scan3A to %scan3A_6 step %scan3A_7  : i32 {
      %mul3A_15 = arith.constant 1 : i32
      %mul3A_16 = arith.muli %scan3A_14, %mul3A_15 : i32
      %add3A_17 = arith.constant 0 : i32
      %add3A_18 = arith.addi %add3A_17, %mul3A_16 : i32
      %add3A_19 = arith.addi %mul3A_4, %add3A_18 : i32
      "tpu.region"() ({
        %run_scoped3A = tpu.sem_alloc : memref<!tpu.dma_semaphore, #tpu.memory_space<semaphore_mem>>
        %dma_start3A_466 = arith.constant 0 : i32
        %dma_start3A_467 = arith.constant 0 : i32
        %dma_start3A_468 = tpu.memref_slice %arg3[%add3A_19, %dma_start3A_466, %dma_start3A_467] : memref<160x16x128xi32, #tpu.memory_space<hbm>> -> memref<1x16x128xi32, #tpu.memory_space<hbm>>
        %dma_start3A_469 = tpu.memref_squeeze %dma_start3A_468 : memref<1x16x128xi32, #tpu.memory_space<hbm>> -> memref<16x128xi32, #tpu.memory_space<hbm>>
        %dma_start3A_470 = arith.constant 0 : i32
        %dma_start3A_471 = arith.constant 0 : i32
        %dma_start3A_472 = tpu.memref_slice %arg3[%add3A_19, %dma_start3A_470, %dma_start3A_471] : memref<160x16x128xi32, #tpu.memory_space<hbm>> -> memref<1x16x128xi32, #tpu.memory_space<hbm>>
        %dma_start3A_473 = tpu.memref_squeeze %dma_start3A_472 : memref<1x16x128xi32, #tpu.memory_space<hbm>> -> memref<16x128xi32, #tpu.memory_space<hbm>>
        tpu.enqueue_dma source(%dma_start3A_473 : memref<16x128xi32, #tpu.memory_space<hbm>>) target(%arg7 : memref<16x128xi32, #tpu.memory_space<vmem>>) target_semaphore(%run_scoped3A : memref<!tpu.dma_semaphore, #tpu.memory_space<semaphore_mem>>)
        %dma_wait3A_474 = arith.constant 0 : i32
        %dma_wait3A_475 = arith.constant 0 : i32
        %dma_wait3A_476 = tpu.memref_slice %arg3[%add3A_19, %dma_wait3A_474, %dma_wait3A_475] : memref<160x16x128xi32, #tpu.memory_space<hbm>> -> memref<1x16x128xi32, #tpu.memory_space<hbm>>
        %dma_wait3A_477 = tpu.memref_squeeze %dma_wait3A_476 : memref<1x16x128xi32, #tpu.memory_space<hbm>> -> memref<16x128xi32, #tpu.memory_space<hbm>>
        %dma_wait3A_478 = arith.constant 0 : i32
        %dma_wait3A_479 = arith.constant 0 : i32
        %dma_wait3A_480 = tpu.memref_slice %arg3[%add3A_19, %dma_wait3A_478, %dma_wait3A_479] : memref<160x16x128xi32, #tpu.memory_space<hbm>> -> memref<1x16x128xi32, #tpu.memory_space<hbm>>
        %dma_wait3A_481 = tpu.memref_squeeze %dma_wait3A_480 : memref<1x16x128xi32, #tpu.memory_space<hbm>> -> memref<16x128xi32, #tpu.memory_space<hbm>>
        tpu.wait_dma2 semaphore(%run_scoped3A : memref<!tpu.dma_semaphore, #tpu.memory_space<semaphore_mem>>) src(%dma_wait3A_481 : memref<16x128xi32, #tpu.memory_space<hbm>>) dst(%arg7 : memref<16x128xi32, #tpu.memory_space<vmem>>)
        tpu.yield
      }) : () -> ()
      "tpu.region"() ({
        %run_scoped3A = tpu.sem_alloc : memref<!tpu.dma_semaphore, #tpu.memory_space<semaphore_mem>>
        %dma_start3A_466 = arith.constant 0 : i32
        %dma_start3A_467 = arith.constant 0 : i32
        %dma_start3A_468 = tpu.memref_slice %arg4[%add3A_19, %dma_start3A_466, %dma_start3A_467] : memref<160x16x128xi32, #tpu.memory_space<hbm>> -> memref<1x16x128xi32, #tpu.memory_space<hbm>>
        %dma_start3A_469 = tpu.memref_squeeze %dma_start3A_468 : memref<1x16x128xi32, #tpu.memory_space<hbm>> -> memref<16x128xi32, #tpu.memory_space<hbm>>
        %dma_start3A_470 = arith.constant 0 : i32
        %dma_start3A_471 = arith.constant 0 : i32
        %dma_start3A_472 = tpu.memref_slice %arg4[%add3A_19, %dma_start3A_470, %dma_start3A_471] : memref<160x16x128xi32, #tpu.memory_space<hbm>> -> memref<1x16x128xi32, #tpu.memory_space<hbm>>
        %dma_start3A_473 = tpu.memref_squeeze %dma_start3A_472 : memref<1x16x128xi32, #tpu.memory_space<hbm>> -> memref<16x128xi32, #tpu.memory_space<hbm>>
        tpu.enqueue_dma source(%dma_start3A_473 : memref<16x128xi32, #tpu.memory_space<hbm>>) target(%arg8 : memref<16x128xi32, #tpu.memory_space<vmem>>) target_semaphore(%run_scoped3A : memref<!tpu.dma_semaphore, #tpu.memory_space<semaphore_mem>>)
        %dma_wait3A_474 = arith.constant 0 : i32
        %dma_wait3A_475 = arith.constant 0 : i32
        %dma_wait3A_476 = tpu.memref_slice %arg4[%add3A_19, %dma_wait3A_474, %dma_wait3A_475] : memref<160x16x128xi32, #tpu.memory_space<hbm>> -> memref<1x16x128xi32, #tpu.memory_space<hbm>>
        %dma_wait3A_477 = tpu.memref_squeeze %dma_wait3A_476 : memref<1x16x128xi32, #tpu.memory_space<hbm>> -> memref<16x128xi32, #tpu.memory_space<hbm>>
        %dma_wait3A_478 = arith.constant 0 : i32
        %dma_wait3A_479 = arith.constant 0 : i32
        %dma_wait3A_480 = tpu.memref_slice %arg4[%add3A_19, %dma_wait3A_478, %dma_wait3A_479] : memref<160x16x128xi32, #tpu.memory_space<hbm>> -> memref<1x16x128xi32, #tpu.memory_space<hbm>>
        %dma_wait3A_481 = tpu.memref_squeeze %dma_wait3A_480 : memref<1x16x128xi32, #tpu.memory_space<hbm>> -> memref<16x128xi32, #tpu.memory_space<hbm>>
        tpu.wait_dma2 semaphore(%run_scoped3A : memref<!tpu.dma_semaphore, #tpu.memory_space<semaphore_mem>>) src(%dma_wait3A_481 : memref<16x128xi32, #tpu.memory_space<hbm>>) dst(%arg8 : memref<16x128xi32, #tpu.memory_space<vmem>>)
        tpu.yield
      }) : () -> ()
      %dma_start3A = arith.constant 0 : i32
      %dma_start3A_20 = arith.constant 0 : i32
      %dma_start3A_21 = tpu.memref_slice %arg7[%dma_start3A, %dma_start3A_20] : memref<16x128xi32, #tpu.memory_space<vmem>> -> memref<1x128xi32, #tpu.memory_space<vmem>>
      %dma_start3A_22 = tpu.memref_squeeze %dma_start3A_21 : memref<1x128xi32, #tpu.memory_space<vmem>> -> memref<128xi32, #tpu.memory_space<vmem>>
      %dma_start3A_23 = arith.constant 0 : i32
      %dma_start3A_24 = arith.constant 0 : i32
      %dma_start3A_25 = tpu.memref_slice %arg2[%dma_start3A_23, %dma_start3A_24] : memref<10000x128xf32, #tpu.memory_space<hbm>> -> memref<10000x128xf32, #tpu.memory_space<hbm>>
      tpu.enqueue_indirect_dma source(%dma_start3A_25 : memref<10000x128xf32, #tpu.memory_space<hbm>>) target(%arg9 : memref<128x128xf32, #tpu.memory_space<vmem>>) offsets(%dma_start3A_22 : memref<128xi32, #tpu.memory_space<vmem>>) semaphore(%arg11 : memref<!tpu.dma_semaphore, #tpu.memory_space<semaphore_mem>>)
      %dma_start3A_26 = arith.constant 1 : i32
      %dma_start3A_27 = arith.constant 0 : i32
      %dma_start3A_28 = tpu.memref_slice %arg7[%dma_start3A_26, %dma_start3A_27] : memref<16x128xi32, #tpu.memory_space<vmem>> -> memref<1x128xi32, #tpu.memory_space<vmem>>
      %dma_start3A_29 = tpu.memref_squeeze %dma_start3A_28 : memref<1x128xi32, #tpu.memory_space<vmem>> -> memref<128xi32, #tpu.memory_space<vmem>>
      %dma_start3A_30 = arith.constant 0 : i32
      %dma_start3A_31 = arith.constant 0 : i32
      %dma_start3A_32 = tpu.memref_slice %arg2[%dma_start3A_30, %dma_start3A_31] : memref<10000x128xf32, #tpu.memory_space<hbm>> -> memref<10000x128xf32, #tpu.memory_space<hbm>>
      tpu.enqueue_indirect_dma source(%dma_start3A_32 : memref<10000x128xf32, #tpu.memory_space<hbm>>) target(%arg10 : memref<128x128xf32, #tpu.memory_space<vmem>>) offsets(%dma_start3A_29 : memref<128xi32, #tpu.memory_space<vmem>>) semaphore(%arg12 : memref<!tpu.dma_semaphore, #tpu.memory_space<semaphore_mem>>)
      %dma_wait3A = arith.constant 0 : i32
      %dma_wait3A_33 = arith.constant 0 : i32
      %dma_wait3A_34 = tpu.memref_slice %arg7[%dma_wait3A, %dma_wait3A_33] : memref<16x128xi32, #tpu.memory_space<vmem>> -> memref<1x128xi32, #tpu.memory_space<vmem>>
      %dma_wait3A_35 = tpu.memref_squeeze %dma_wait3A_34 : memref<1x128xi32, #tpu.memory_space<vmem>> -> memref<128xi32, #tpu.memory_space<vmem>>
      %dma_wait3A_36 = arith.constant 0 : i32
      %dma_wait3A_37 = arith.constant 0 : i32
      %dma_wait3A_38 = tpu.memref_slice %arg2[%dma_wait3A_36, %dma_wait3A_37] : memref<10000x128xf32, #tpu.memory_space<hbm>> -> memref<10000x128xf32, #tpu.memory_space<hbm>>
      tpu.wait_indirect_dma semaphore(%arg11 : memref<!tpu.dma_semaphore, #tpu.memory_space<semaphore_mem>>) src(%dma_wait3A_38 : memref<10000x128xf32, #tpu.memory_space<hbm>>) dst(%arg9 : memref<128x128xf32, #tpu.memory_space<vmem>>)
      %dma_start3A_39 = arith.constant 0 : i32
      %dma_start3A_40 = arith.constant 0 : i32
      %dma_start3A_41 = tpu.memref_slice %arg8[%dma_start3A_39, %dma_start3A_40] : memref<16x128xi32, #tpu.memory_space<vmem>> -> memref<1x128xi32, #tpu.memory_space<vmem>>
      %dma_start3A_42 = tpu.memref_squeeze %dma_start3A_41 : memref<1x128xi32, #tpu.memory_space<vmem>> -> memref<128xi32, #tpu.memory_space<vmem>>
      %dma_start3A_43 = arith.constant 0 : i32
      %dma_start3A_44 = arith.constant 0 : i32
      %dma_start3A_45 = tpu.memref_slice %arg15[%dma_start3A_43, %dma_start3A_44] : memref<10240x128xf32, #tpu.memory_space<vmem_shared>> -> memref<10240x128xf32, #tpu.memory_space<vmem_shared>>
      tpu.enqueue_indirect_dma source(%arg9 : memref<128x128xf32, #tpu.memory_space<vmem>>) target(%dma_start3A_45 : memref<10240x128xf32, #tpu.memory_space<vmem_shared>>) offsets(%dma_start3A_42 : memref<128xi32, #tpu.memory_space<vmem>>) semaphore(%arg13 : memref<!tpu.dma_semaphore, #tpu.memory_space<semaphore_mem>>) {add = true}
      %dma_wait3A_46 = arith.constant 0 : i32
      %dma_wait3A_47 = arith.constant 0 : i32
      %dma_wait3A_48 = tpu.memref_slice %arg8[%dma_wait3A_46, %dma_wait3A_47] : memref<16x128xi32, #tpu.memory_space<vmem>> -> memref<1x128xi32, #tpu.memory_space<vmem>>
      %dma_wait3A_49 = tpu.memref_squeeze %dma_wait3A_48 : memref<1x128xi32, #tpu.memory_space<vmem>> -> memref<128xi32, #tpu.memory_space<vmem>>
      %dma_wait3A_50 = arith.constant 0 : i32
      %dma_wait3A_51 = arith.constant 0 : i32
      %dma_wait3A_52 = tpu.memref_slice %arg15[%dma_wait3A_50, %dma_wait3A_51] : memref<10240x128xf32, #tpu.memory_space<vmem_shared>> -> memref<10240x128xf32, #tpu.memory_space<vmem_shared>>
      tpu.wait_indirect_dma semaphore(%arg13 : memref<!tpu.dma_semaphore, #tpu.memory_space<semaphore_mem>>) src(%arg9 : memref<128x128xf32, #tpu.memory_space<vmem>>) dst(%dma_wait3A_52 : memref<10240x128xf32, #tpu.memory_space<vmem_shared>>)
      %dma_start3A_53 = arith.constant 2 : i32
      %dma_start3A_54 = arith.constant 0 : i32
      %dma_start3A_55 = tpu.memref_slice %arg7[%dma_start3A_53, %dma_start3A_54] : memref<16x128xi32, #tpu.memory_space<vmem>> -> memref<1x128xi32, #tpu.memory_space<vmem>>
      %dma_start3A_56 = tpu.memref_squeeze %dma_start3A_55 : memref<1x128xi32, #tpu.memory_space<vmem>> -> memref<128xi32, #tpu.memory_space<vmem>>
      %dma_start3A_57 = arith.constant 0 : i32
      %dma_start3A_58 = arith.constant 0 : i32
      %dma_start3A_59 = tpu.memref_slice %arg2[%dma_start3A_57, %dma_start3A_58] : memref<10000x128xf32, #tpu.memory_space<hbm>> -> memref<10000x128xf32, #tpu.memory_space<hbm>>
      tpu.enqueue_indirect_dma source(%dma_start3A_59 : memref<10000x128xf32, #tpu.memory_space<hbm>>) target(%arg9 : memref<128x128xf32, #tpu.memory_space<vmem>>) offsets(%dma_start3A_56 : memref<128xi32, #tpu.memory_space<vmem>>) semaphore(%arg11 : memref<!tpu.dma_semaphore, #tpu.memory_space<semaphore_mem>>)
      %dma_wait3A_60 = arith.constant 0 : i32
      %dma_wait3A_61 = arith.constant 0 : i32
      %dma_wait3A_62 = tpu.memref_slice %arg7[%dma_wait3A_60, %dma_wait3A_61] : memref<16x128xi32, #tpu.memory_space<vmem>> -> memref<1x128xi32, #tpu.memory_space<vmem>>
      %dma_wait3A_63 = tpu.memref_squeeze %dma_wait3A_62 : memref<1x128xi32, #tpu.memory_space<vmem>> -> memref<128xi32, #tpu.memory_space<vmem>>
      %dma_wait3A_64 = arith.constant 0 : i32
      %dma_wait3A_65 = arith.constant 0 : i32
      %dma_wait3A_66 = tpu.memref_slice %arg2[%dma_wait3A_64, %dma_wait3A_65] : memref<10000x128xf32, #tpu.memory_space<hbm>> -> memref<10000x128xf32, #tpu.memory_space<hbm>>
      tpu.wait_indirect_dma semaphore(%arg12 : memref<!tpu.dma_semaphore, #tpu.memory_space<semaphore_mem>>) src(%dma_wait3A_66 : memref<10000x128xf32, #tpu.memory_space<hbm>>) dst(%arg10 : memref<128x128xf32, #tpu.memory_space<vmem>>)
      %dma_start3A_67 = arith.constant 1 : i32
      %dma_start3A_68 = arith.constant 0 : i32
      %dma_start3A_69 = tpu.memref_slice %arg8[%dma_start3A_67, %dma_start3A_68] : memref<16x128xi32, #tpu.memory_space<vmem>> -> memref<1x128xi32, #tpu.memory_space<vmem>>
      %dma_start3A_70 = tpu.memref_squeeze %dma_start3A_69 : memref<1x128xi32, #tpu.memory_space<vmem>> -> memref<128xi32, #tpu.memory_space<vmem>>
      %dma_start3A_71 = arith.constant 0 : i32
      %dma_start3A_72 = arith.constant 0 : i32
      %dma_start3A_73 = tpu.memref_slice %arg15[%dma_start3A_71, %dma_start3A_72] : memref<10240x128xf32, #tpu.memory_space<vmem_shared>> -> memref<10240x128xf32, #tpu.memory_space<vmem_shared>>
      tpu.enqueue_indirect_dma source(%arg10 : memref<128x128xf32, #tpu.memory_space<vmem>>) target(%dma_start3A_73 : memref<10240x128xf32, #tpu.memory_space<vmem_shared>>) offsets(%dma_start3A_70 : memref<128xi32, #tpu.memory_space<vmem>>) semaphore(%arg14 : memref<!tpu.dma_semaphore, #tpu.memory_space<semaphore_mem>>) {add = true}
      %dma_wait3A_74 = arith.constant 0 : i32
      %dma_wait3A_75 = arith.constant 0 : i32
      %dma_wait3A_76 = tpu.memref_slice %arg8[%dma_wait3A_74, %dma_wait3A_75] : memref<16x128xi32, #tpu.memory_space<vmem>> -> memref<1x128xi32, #tpu.memory_space<vmem>>
      %dma_wait3A_77 = tpu.memref_squeeze %dma_wait3A_76 : memref<1x128xi32, #tpu.memory_space<vmem>> -> memref<128xi32, #tpu.memory_space<vmem>>
      %dma_wait3A_78 = arith.constant 0 : i32
      %dma_wait3A_79 = arith.constant 0 : i32
      %dma_wait3A_80 = tpu.memref_slice %arg15[%dma_wait3A_78, %dma_wait3A_79] : memref<10240x128xf32, #tpu.memory_space<vmem_shared>> -> memref<10240x128xf32, #tpu.memory_space<vmem_shared>>
      tpu.wait_indirect_dma semaphore(%arg14 : memref<!tpu.dma_semaphore, #tpu.memory_space<semaphore_mem>>) src(%arg10 : memref<128x128xf32, #tpu.memory_space<vmem>>) dst(%dma_wait3A_80 : memref<10240x128xf32, #tpu.memory_space<vmem_shared>>)
      %dma_start3A_81 = arith.constant 3 : i32
      %dma_start3A_82 = arith.constant 0 : i32
      %dma_start3A_83 = tpu.memref_slice %arg7[%dma_start3A_81, %dma_start3A_82] : memref<16x128xi32, #tpu.memory_space<vmem>> -> memref<1x128xi32, #tpu.memory_space<vmem>>
      %dma_start3A_84 = tpu.memref_squeeze %dma_start3A_83 : memref<1x128xi32, #tpu.memory_space<vmem>> -> memref<128xi32, #tpu.memory_space<vmem>>
      %dma_start3A_85 = arith.constant 0 : i32
      %dma_start3A_86 = arith.constant 0 : i32
      %dma_start3A_87 = tpu.memref_slice %arg2[%dma_start3A_85, %dma_start3A_86] : memref<10000x128xf32, #tpu.memory_space<hbm>> -> memref<10000x128xf32, #tpu.memory_space<hbm>>
      tpu.enqueue_indirect_dma source(%dma_start3A_87 : memref<10000x128xf32, #tpu.memory_space<hbm>>) target(%arg10 : memref<128x128xf32, #tpu.memory_space<vmem>>) offsets(%dma_start3A_84 : memref<128xi32, #tpu.memory_space<vmem>>) semaphore(%arg12 : memref<!tpu.dma_semaphore, #tpu.memory_space<semaphore_mem>>)
      %dma_wait3A_88 = arith.constant 0 : i32
      %dma_wait3A_89 = arith.constant 0 : i32
      %dma_wait3A_90 = tpu.memref_slice %arg7[%dma_wait3A_88, %dma_wait3A_89] : memref<16x128xi32, #tpu.memory_space<vmem>> -> memref<1x128xi32, #tpu.memory_space<vmem>>
      %dma_wait3A_91 = tpu.memref_squeeze %dma_wait3A_90 : memref<1x128xi32, #tpu.memory_space<vmem>> -> memref<128xi32, #tpu.memory_space<vmem>>
      %dma_wait3A_92 = arith.constant 0 : i32
      %dma_wait3A_93 = arith.constant 0 : i32
      %dma_wait3A_94 = tpu.memref_slice %arg2[%dma_wait3A_92, %dma_wait3A_93] : memref<10000x128xf32, #tpu.memory_space<hbm>> -> memref<10000x128xf32, #tpu.memory_space<hbm>>
      tpu.wait_indirect_dma semaphore(%arg11 : memref<!tpu.dma_semaphore, #tpu.memory_space<semaphore_mem>>) src(%dma_wait3A_94 : memref<10000x128xf32, #tpu.memory_space<hbm>>) dst(%arg9 : memref<128x128xf32, #tpu.memory_space<vmem>>)
      %dma_start3A_95 = arith.constant 2 : i32
      %dma_start3A_96 = arith.constant 0 : i32
      %dma_start3A_97 = tpu.memref_slice %arg8[%dma_start3A_95, %dma_start3A_96] : memref<16x128xi32, #tpu.memory_space<vmem>> -> memref<1x128xi32, #tpu.memory_space<vmem>>
      %dma_start3A_98 = tpu.memref_squeeze %dma_start3A_97 : memref<1x128xi32, #tpu.memory_space<vmem>> -> memref<128xi32, #tpu.memory_space<vmem>>
      %dma_start3A_99 = arith.constant 0 : i32
      %dma_start3A_100 = arith.constant 0 : i32
      %dma_start3A_101 = tpu.memref_slice %arg15[%dma_start3A_99, %dma_start3A_100] : memref<10240x128xf32, #tpu.memory_space<vmem_shared>> -> memref<10240x128xf32, #tpu.memory_space<vmem_shared>>
      tpu.enqueue_indirect_dma source(%arg9 : memref<128x128xf32, #tpu.memory_space<vmem>>) target(%dma_start3A_101 : memref<10240x128xf32, #tpu.memory_space<vmem_shared>>) offsets(%dma_start3A_98 : memref<128xi32, #tpu.memory_space<vmem>>) semaphore(%arg13 : memref<!tpu.dma_semaphore, #tpu.memory_space<semaphore_mem>>) {add = true}
      %dma_wait3A_102 = arith.constant 0 : i32
      %dma_wait3A_103 = arith.constant 0 : i32
      %dma_wait3A_104 = tpu.memref_slice %arg8[%dma_wait3A_102, %dma_wait3A_103] : memref<16x128xi32, #tpu.memory_space<vmem>> -> memref<1x128xi32, #tpu.memory_space<vmem>>
      %dma_wait3A_105 = tpu.memref_squeeze %dma_wait3A_104 : memref<1x128xi32, #tpu.memory_space<vmem>> -> memref<128xi32, #tpu.memory_space<vmem>>
      %dma_wait3A_106 = arith.constant 0 : i32
      %dma_wait3A_107 = arith.constant 0 : i32
      %dma_wait3A_108 = tpu.memref_slice %arg15[%dma_wait3A_106, %dma_wait3A_107] : memref<10240x128xf32, #tpu.memory_space<vmem_shared>> -> memref<10240x128xf32, #tpu.memory_space<vmem_shared>>
      tpu.wait_indirect_dma semaphore(%arg13 : memref<!tpu.dma_semaphore, #tpu.memory_space<semaphore_mem>>) src(%arg9 : memref<128x128xf32, #tpu.memory_space<vmem>>) dst(%dma_wait3A_108 : memref<10240x128xf32, #tpu.memory_space<vmem_shared>>)
      %dma_start3A_109 = arith.constant 4 : i32
      %dma_start3A_110 = arith.constant 0 : i32
      %dma_start3A_111 = tpu.memref_slice %arg7[%dma_start3A_109, %dma_start3A_110] : memref<16x128xi32, #tpu.memory_space<vmem>> -> memref<1x128xi32, #tpu.memory_space<vmem>>
      %dma_start3A_112 = tpu.memref_squeeze %dma_start3A_111 : memref<1x128xi32, #tpu.memory_space<vmem>> -> memref<128xi32, #tpu.memory_space<vmem>>
      %dma_start3A_113 = arith.constant 0 : i32
      %dma_start3A_114 = arith.constant 0 : i32
      %dma_start3A_115 = tpu.memref_slice %arg2[%dma_start3A_113, %dma_start3A_114] : memref<10000x128xf32, #tpu.memory_space<hbm>> -> memref<10000x128xf32, #tpu.memory_space<hbm>>
      tpu.enqueue_indirect_dma source(%dma_start3A_115 : memref<10000x128xf32, #tpu.memory_space<hbm>>) target(%arg9 : memref<128x128xf32, #tpu.memory_space<vmem>>) offsets(%dma_start3A_112 : memref<128xi32, #tpu.memory_space<vmem>>) semaphore(%arg11 : memref<!tpu.dma_semaphore, #tpu.memory_space<semaphore_mem>>)
      %dma_wait3A_116 = arith.constant 0 : i32
      %dma_wait3A_117 = arith.constant 0 : i32
      %dma_wait3A_118 = tpu.memref_slice %arg7[%dma_wait3A_116, %dma_wait3A_117] : memref<16x128xi32, #tpu.memory_space<vmem>> -> memref<1x128xi32, #tpu.memory_space<vmem>>
      %dma_wait3A_119 = tpu.memref_squeeze %dma_wait3A_118 : memref<1x128xi32, #tpu.memory_space<vmem>> -> memref<128xi32, #tpu.memory_space<vmem>>
      %dma_wait3A_120 = arith.constant 0 : i32
      %dma_wait3A_121 = arith.constant 0 : i32
      %dma_wait3A_122 = tpu.memref_slice %arg2[%dma_wait3A_120, %dma_wait3A_121] : memref<10000x128xf32, #tpu.memory_space<hbm>> -> memref<10000x128xf32, #tpu.memory_space<hbm>>
      tpu.wait_indirect_dma semaphore(%arg12 : memref<!tpu.dma_semaphore, #tpu.memory_space<semaphore_mem>>) src(%dma_wait3A_122 : memref<10000x128xf32, #tpu.memory_space<hbm>>) dst(%arg10 : memref<128x128xf32, #tpu.memory_space<vmem>>)
      %dma_start3A_123 = arith.constant 3 : i32
      %dma_start3A_124 = arith.constant 0 : i32
      %dma_start3A_125 = tpu.memref_slice %arg8[%dma_start3A_123, %dma_start3A_124] : memref<16x128xi32, #tpu.memory_space<vmem>> -> memref<1x128xi32, #tpu.memory_space<vmem>>
      %dma_start3A_126 = tpu.memref_squeeze %dma_start3A_125 : memref<1x128xi32, #tpu.memory_space<vmem>> -> memref<128xi32, #tpu.memory_space<vmem>>
      %dma_start3A_127 = arith.constant 0 : i32
      %dma_start3A_128 = arith.constant 0 : i32
      %dma_start3A_129 = tpu.memref_slice %arg15[%dma_start3A_127, %dma_start3A_128] : memref<10240x128xf32, #tpu.memory_space<vmem_shared>> -> memref<10240x128xf32, #tpu.memory_space<vmem_shared>>
      tpu.enqueue_indirect_dma source(%arg10 : memref<128x128xf32, #tpu.memory_space<vmem>>) target(%dma_start3A_129 : memref<10240x128xf32, #tpu.memory_space<vmem_shared>>) offsets(%dma_start3A_126 : memref<128xi32, #tpu.memory_space<vmem>>) semaphore(%arg14 : memref<!tpu.dma_semaphore, #tpu.memory_space<semaphore_mem>>) {add = true}
      %dma_wait3A_130 = arith.constant 0 : i32
      %dma_wait3A_131 = arith.constant 0 : i32
      %dma_wait3A_132 = tpu.memref_slice %arg8[%dma_wait3A_130, %dma_wait3A_131] : memref<16x128xi32, #tpu.memory_space<vmem>> -> memref<1x128xi32, #tpu.memory_space<vmem>>
      %dma_wait3A_133 = tpu.memref_squeeze %dma_wait3A_132 : memref<1x128xi32, #tpu.memory_space<vmem>> -> memref<128xi32, #tpu.memory_space<vmem>>
      %dma_wait3A_134 = arith.constant 0 : i32
      %dma_wait3A_135 = arith.constant 0 : i32
      %dma_wait3A_136 = tpu.memref_slice %arg15[%dma_wait3A_134, %dma_wait3A_135] : memref<10240x128xf32, #tpu.memory_space<vmem_shared>> -> memref<10240x128xf32, #tpu.memory_space<vmem_shared>>
      tpu.wait_indirect_dma semaphore(%arg14 : memref<!tpu.dma_semaphore, #tpu.memory_space<semaphore_mem>>) src(%arg10 : memref<128x128xf32, #tpu.memory_space<vmem>>) dst(%dma_wait3A_136 : memref<10240x128xf32, #tpu.memory_space<vmem_shared>>)
      %dma_start3A_137 = arith.constant 5 : i32
      %dma_start3A_138 = arith.constant 0 : i32
      %dma_start3A_139 = tpu.memref_slice %arg7[%dma_start3A_137, %dma_start3A_138] : memref<16x128xi32, #tpu.memory_space<vmem>> -> memref<1x128xi32, #tpu.memory_space<vmem>>
      %dma_start3A_140 = tpu.memref_squeeze %dma_start3A_139 : memref<1x128xi32, #tpu.memory_space<vmem>> -> memref<128xi32, #tpu.memory_space<vmem>>
      %dma_start3A_141 = arith.constant 0 : i32
      %dma_start3A_142 = arith.constant 0 : i32
      %dma_start3A_143 = tpu.memref_slice %arg2[%dma_start3A_141, %dma_start3A_142] : memref<10000x128xf32, #tpu.memory_space<hbm>> -> memref<10000x128xf32, #tpu.memory_space<hbm>>
      tpu.enqueue_indirect_dma source(%dma_start3A_143 : memref<10000x128xf32, #tpu.memory_space<hbm>>) target(%arg10 : memref<128x128xf32, #tpu.memory_space<vmem>>) offsets(%dma_start3A_140 : memref<128xi32, #tpu.memory_space<vmem>>) semaphore(%arg12 : memref<!tpu.dma_semaphore, #tpu.memory_space<semaphore_mem>>)
      %dma_wait3A_144 = arith.constant 0 : i32
      %dma_wait3A_145 = arith.constant 0 : i32
      %dma_wait3A_146 = tpu.memref_slice %arg7[%dma_wait3A_144, %dma_wait3A_145] : memref<16x128xi32, #tpu.memory_space<vmem>> -> memref<1x128xi32, #tpu.memory_space<vmem>>
      %dma_wait3A_147 = tpu.memref_squeeze %dma_wait3A_146 : memref<1x128xi32, #tpu.memory_space<vmem>> -> memref<128xi32, #tpu.memory_space<vmem>>
      %dma_wait3A_148 = arith.constant 0 : i32
      %dma_wait3A_149 = arith.constant 0 : i32
      %dma_wait3A_150 = tpu.memref_slice %arg2[%dma_wait3A_148, %dma_wait3A_149] : memref<10000x128xf32, #tpu.memory_space<hbm>> -> memref<10000x128xf32, #tpu.memory_space<hbm>>
      tpu.wait_indirect_dma semaphore(%arg11 : memref<!tpu.dma_semaphore, #tpu.memory_space<semaphore_mem>>) src(%dma_wait3A_150 : memref<10000x128xf32, #tpu.memory_space<hbm>>) dst(%arg9 : memref<128x128xf32, #tpu.memory_space<vmem>>)
      %dma_start3A_151 = arith.constant 4 : i32
      %dma_start3A_152 = arith.constant 0 : i32
      %dma_start3A_153 = tpu.memref_slice %arg8[%dma_start3A_151, %dma_start3A_152] : memref<16x128xi32, #tpu.memory_space<vmem>> -> memref<1x128xi32, #tpu.memory_space<vmem>>
      %dma_start3A_154 = tpu.memref_squeeze %dma_start3A_153 : memref<1x128xi32, #tpu.memory_space<vmem>> -> memref<128xi32, #tpu.memory_space<vmem>>
      %dma_start3A_155 = arith.constant 0 : i32
      %dma_start3A_156 = arith.constant 0 : i32
      %dma_start3A_157 = tpu.memref_slice %arg15[%dma_start3A_155, %dma_start3A_156] : memref<10240x128xf32, #tpu.memory_space<vmem_shared>> -> memref<10240x128xf32, #tpu.memory_space<vmem_shared>>
      tpu.enqueue_indirect_dma source(%arg9 : memref<128x128xf32, #tpu.memory_space<vmem>>) target(%dma_start3A_157 : memref<10240x128xf32, #tpu.memory_space<vmem_shared>>) offsets(%dma_start3A_154 : memref<128xi32, #tpu.memory_space<vmem>>) semaphore(%arg13 : memref<!tpu.dma_semaphore, #tpu.memory_space<semaphore_mem>>) {add = true}
      %dma_wait3A_158 = arith.constant 0 : i32
      %dma_wait3A_159 = arith.constant 0 : i32
      %dma_wait3A_160 = tpu.memref_slice %arg8[%dma_wait3A_158, %dma_wait3A_159] : memref<16x128xi32, #tpu.memory_space<vmem>> -> memref<1x128xi32, #tpu.memory_space<vmem>>
      %dma_wait3A_161 = tpu.memref_squeeze %dma_wait3A_160 : memref<1x128xi32, #tpu.memory_space<vmem>> -> memref<128xi32, #tpu.memory_space<vmem>>
      %dma_wait3A_162 = arith.constant 0 : i32
      %dma_wait3A_163 = arith.constant 0 : i32
      %dma_wait3A_164 = tpu.memref_slice %arg15[%dma_wait3A_162, %dma_wait3A_163] : memref<10240x128xf32, #tpu.memory_space<vmem_shared>> -> memref<10240x128xf32, #tpu.memory_space<vmem_shared>>
      tpu.wait_indirect_dma semaphore(%arg13 : memref<!tpu.dma_semaphore, #tpu.memory_space<semaphore_mem>>) src(%arg9 : memref<128x128xf32, #tpu.memory_space<vmem>>) dst(%dma_wait3A_164 : memref<10240x128xf32, #tpu.memory_space<vmem_shared>>)
      %dma_start3A_165 = arith.constant 6 : i32
      %dma_start3A_166 = arith.constant 0 : i32
      %dma_start3A_167 = tpu.memref_slice %arg7[%dma_start3A_165, %dma_start3A_166] : memref<16x128xi32, #tpu.memory_space<vmem>> -> memref<1x128xi32, #tpu.memory_space<vmem>>
      %dma_start3A_168 = tpu.memref_squeeze %dma_start3A_167 : memref<1x128xi32, #tpu.memory_space<vmem>> -> memref<128xi32, #tpu.memory_space<vmem>>
      %dma_start3A_169 = arith.constant 0 : i32
      %dma_start3A_170 = arith.constant 0 : i32
      %dma_start3A_171 = tpu.memref_slice %arg2[%dma_start3A_169, %dma_start3A_170] : memref<10000x128xf32, #tpu.memory_space<hbm>> -> memref<10000x128xf32, #tpu.memory_space<hbm>>
      tpu.enqueue_indirect_dma source(%dma_start3A_171 : memref<10000x128xf32, #tpu.memory_space<hbm>>) target(%arg9 : memref<128x128xf32, #tpu.memory_space<vmem>>) offsets(%dma_start3A_168 : memref<128xi32, #tpu.memory_space<vmem>>) semaphore(%arg11 : memref<!tpu.dma_semaphore, #tpu.memory_space<semaphore_mem>>)
      %dma_wait3A_172 = arith.constant 0 : i32
      %dma_wait3A_173 = arith.constant 0 : i32
      %dma_wait3A_174 = tpu.memref_slice %arg7[%dma_wait3A_172, %dma_wait3A_173] : memref<16x128xi32, #tpu.memory_space<vmem>> -> memref<1x128xi32, #tpu.memory_space<vmem>>
      %dma_wait3A_175 = tpu.memref_squeeze %dma_wait3A_174 : memref<1x128xi32, #tpu.memory_space<vmem>> -> memref<128xi32, #tpu.memory_space<vmem>>
      %dma_wait3A_176 = arith.constant 0 : i32
      %dma_wait3A_177 = arith.constant 0 : i32
      %dma_wait3A_178 = tpu.memref_slice %arg2[%dma_wait3A_176, %dma_wait3A_177] : memref<10000x128xf32, #tpu.memory_space<hbm>> -> memref<10000x128xf32, #tpu.memory_space<hbm>>
      tpu.wait_indirect_dma semaphore(%arg12 : memref<!tpu.dma_semaphore, #tpu.memory_space<semaphore_mem>>) src(%dma_wait3A_178 : memref<10000x128xf32, #tpu.memory_space<hbm>>) dst(%arg10 : memref<128x128xf32, #tpu.memory_space<vmem>>)
      %dma_start3A_179 = arith.constant 5 : i32
      %dma_start3A_180 = arith.constant 0 : i32
      %dma_start3A_181 = tpu.memref_slice %arg8[%dma_start3A_179, %dma_start3A_180] : memref<16x128xi32, #tpu.memory_space<vmem>> -> memref<1x128xi32, #tpu.memory_space<vmem>>
      %dma_start3A_182 = tpu.memref_squeeze %dma_start3A_181 : memref<1x128xi32, #tpu.memory_space<vmem>> -> memref<128xi32, #tpu.memory_space<vmem>>
      %dma_start3A_183 = arith.constant 0 : i32
      %dma_start3A_184 = arith.constant 0 : i32
      %dma_start3A_185 = tpu.memref_slice %arg15[%dma_start3A_183, %dma_start3A_184] : memref<10240x128xf32, #tpu.memory_space<vmem_shared>> -> memref<10240x128xf32, #tpu.memory_space<vmem_shared>>
      tpu.enqueue_indirect_dma source(%arg10 : memref<128x128xf32, #tpu.memory_space<vmem>>) target(%dma_start3A_185 : memref<10240x128xf32, #tpu.memory_space<vmem_shared>>) offsets(%dma_start3A_182 : memref<128xi32, #tpu.memory_space<vmem>>) semaphore(%arg14 : memref<!tpu.dma_semaphore, #tpu.memory_space<semaphore_mem>>) {add = true}
      %dma_wait3A_186 = arith.constant 0 : i32
      %dma_wait3A_187 = arith.constant 0 : i32
      %dma_wait3A_188 = tpu.memref_slice %arg8[%dma_wait3A_186, %dma_wait3A_187] : memref<16x128xi32, #tpu.memory_space<vmem>> -> memref<1x128xi32, #tpu.memory_space<vmem>>
      %dma_wait3A_189 = tpu.memref_squeeze %dma_wait3A_188 : memref<1x128xi32, #tpu.memory_space<vmem>> -> memref<128xi32, #tpu.memory_space<vmem>>
      %dma_wait3A_190 = arith.constant 0 : i32
      %dma_wait3A_191 = arith.constant 0 : i32
      %dma_wait3A_192 = tpu.memref_slice %arg15[%dma_wait3A_190, %dma_wait3A_191] : memref<10240x128xf32, #tpu.memory_space<vmem_shared>> -> memref<10240x128xf32, #tpu.memory_space<vmem_shared>>
      tpu.wait_indirect_dma semaphore(%arg14 : memref<!tpu.dma_semaphore, #tpu.memory_space<semaphore_mem>>) src(%arg10 : memref<128x128xf32, #tpu.memory_space<vmem>>) dst(%dma_wait3A_192 : memref<10240x128xf32, #tpu.memory_space<vmem_shared>>)
      %dma_start3A_193 = arith.constant 7 : i32
      %dma_start3A_194 = arith.constant 0 : i32
      %dma_start3A_195 = tpu.memref_slice %arg7[%dma_start3A_193, %dma_start3A_194] : memref<16x128xi32, #tpu.memory_space<vmem>> -> memref<1x128xi32, #tpu.memory_space<vmem>>
      %dma_start3A_196 = tpu.memref_squeeze %dma_start3A_195 : memref<1x128xi32, #tpu.memory_space<vmem>> -> memref<128xi32, #tpu.memory_space<vmem>>
      %dma_start3A_197 = arith.constant 0 : i32
      %dma_start3A_198 = arith.constant 0 : i32
      %dma_start3A_199 = tpu.memref_slice %arg2[%dma_start3A_197, %dma_start3A_198] : memref<10000x128xf32, #tpu.memory_space<hbm>> -> memref<10000x128xf32, #tpu.memory_space<hbm>>
      tpu.enqueue_indirect_dma source(%dma_start3A_199 : memref<10000x128xf32, #tpu.memory_space<hbm>>) target(%arg10 : memref<128x128xf32, #tpu.memory_space<vmem>>) offsets(%dma_start3A_196 : memref<128xi32, #tpu.memory_space<vmem>>) semaphore(%arg12 : memref<!tpu.dma_semaphore, #tpu.memory_space<semaphore_mem>>)
      %dma_wait3A_200 = arith.constant 0 : i32
      %dma_wait3A_201 = arith.constant 0 : i32
      %dma_wait3A_202 = tpu.memref_slice %arg7[%dma_wait3A_200, %dma_wait3A_201] : memref<16x128xi32, #tpu.memory_space<vmem>> -> memref<1x128xi32, #tpu.memory_space<vmem>>
      %dma_wait3A_203 = tpu.memref_squeeze %dma_wait3A_202 : memref<1x128xi32, #tpu.memory_space<vmem>> -> memref<128xi32, #tpu.memory_space<vmem>>
      %dma_wait3A_204 = arith.constant 0 : i32
      %dma_wait3A_205 = arith.constant 0 : i32
      %dma_wait3A_206 = tpu.memref_slice %arg2[%dma_wait3A_204, %dma_wait3A_205] : memref<10000x128xf32, #tpu.memory_space<hbm>> -> memref<10000x128xf32, #tpu.memory_space<hbm>>
      tpu.wait_indirect_dma semaphore(%arg11 : memref<!tpu.dma_semaphore, #tpu.memory_space<semaphore_mem>>) src(%dma_wait3A_206 : memref<10000x128xf32, #tpu.memory_space<hbm>>) dst(%arg9 : memref<128x128xf32, #tpu.memory_space<vmem>>)
      %dma_start3A_207 = arith.constant 6 : i32
      %dma_start3A_208 = arith.constant 0 : i32
      %dma_start3A_209 = tpu.memref_slice %arg8[%dma_start3A_207, %dma_start3A_208] : memref<16x128xi32, #tpu.memory_space<vmem>> -> memref<1x128xi32, #tpu.memory_space<vmem>>
      %dma_start3A_210 = tpu.memref_squeeze %dma_start3A_209 : memref<1x128xi32, #tpu.memory_space<vmem>> -> memref<128xi32, #tpu.memory_space<vmem>>
      %dma_start3A_211 = arith.constant 0 : i32
      %dma_start3A_212 = arith.constant 0 : i32
      %dma_start3A_213 = tpu.memref_slice %arg15[%dma_start3A_211, %dma_start3A_212] : memref<10240x128xf32, #tpu.memory_space<vmem_shared>> -> memref<10240x128xf32, #tpu.memory_space<vmem_shared>>
      tpu.enqueue_indirect_dma source(%arg9 : memref<128x128xf32, #tpu.memory_space<vmem>>) target(%dma_start3A_213 : memref<10240x128xf32, #tpu.memory_space<vmem_shared>>) offsets(%dma_start3A_210 : memref<128xi32, #tpu.memory_space<vmem>>) semaphore(%arg13 : memref<!tpu.dma_semaphore, #tpu.memory_space<semaphore_mem>>) {add = true}
      %dma_wait3A_214 = arith.constant 0 : i32
      %dma_wait3A_215 = arith.constant 0 : i32
      %dma_wait3A_216 = tpu.memref_slice %arg8[%dma_wait3A_214, %dma_wait3A_215] : memref<16x128xi32, #tpu.memory_space<vmem>> -> memref<1x128xi32, #tpu.memory_space<vmem>>
      %dma_wait3A_217 = tpu.memref_squeeze %dma_wait3A_216 : memref<1x128xi32, #tpu.memory_space<vmem>> -> memref<128xi32, #tpu.memory_space<vmem>>
      %dma_wait3A_218 = arith.constant 0 : i32
      %dma_wait3A_219 = arith.constant 0 : i32
      %dma_wait3A_220 = tpu.memref_slice %arg15[%dma_wait3A_218, %dma_wait3A_219] : memref<10240x128xf32, #tpu.memory_space<vmem_shared>> -> memref<10240x128xf32, #tpu.memory_space<vmem_shared>>
      tpu.wait_indirect_dma semaphore(%arg13 : memref<!tpu.dma_semaphore, #tpu.memory_space<semaphore_mem>>) src(%arg9 : memref<128x128xf32, #tpu.memory_space<vmem>>) dst(%dma_wait3A_220 : memref<10240x128xf32, #tpu.memory_space<vmem_shared>>)
      %dma_start3A_221 = arith.constant 8 : i32
      %dma_start3A_222 = arith.constant 0 : i32
      %dma_start3A_223 = tpu.memref_slice %arg7[%dma_start3A_221, %dma_start3A_222] : memref<16x128xi32, #tpu.memory_space<vmem>> -> memref<1x128xi32, #tpu.memory_space<vmem>>
      %dma_start3A_224 = tpu.memref_squeeze %dma_start3A_223 : memref<1x128xi32, #tpu.memory_space<vmem>> -> memref<128xi32, #tpu.memory_space<vmem>>
      %dma_start3A_225 = arith.constant 0 : i32
      %dma_start3A_226 = arith.constant 0 : i32
      %dma_start3A_227 = tpu.memref_slice %arg2[%dma_start3A_225, %dma_start3A_226] : memref<10000x128xf32, #tpu.memory_space<hbm>> -> memref<10000x128xf32, #tpu.memory_space<hbm>>
      tpu.enqueue_indirect_dma source(%dma_start3A_227 : memref<10000x128xf32, #tpu.memory_space<hbm>>) target(%arg9 : memref<128x128xf32, #tpu.memory_space<vmem>>) offsets(%dma_start3A_224 : memref<128xi32, #tpu.memory_space<vmem>>) semaphore(%arg11 : memref<!tpu.dma_semaphore, #tpu.memory_space<semaphore_mem>>)
      %dma_wait3A_228 = arith.constant 0 : i32
      %dma_wait3A_229 = arith.constant 0 : i32
      %dma_wait3A_230 = tpu.memref_slice %arg7[%dma_wait3A_228, %dma_wait3A_229] : memref<16x128xi32, #tpu.memory_space<vmem>> -> memref<1x128xi32, #tpu.memory_space<vmem>>
      %dma_wait3A_231 = tpu.memref_squeeze %dma_wait3A_230 : memref<1x128xi32, #tpu.memory_space<vmem>> -> memref<128xi32, #tpu.memory_space<vmem>>
      %dma_wait3A_232 = arith.constant 0 : i32
      %dma_wait3A_233 = arith.constant 0 : i32
      %dma_wait3A_234 = tpu.memref_slice %arg2[%dma_wait3A_232, %dma_wait3A_233] : memref<10000x128xf32, #tpu.memory_space<hbm>> -> memref<10000x128xf32, #tpu.memory_space<hbm>>
      tpu.wait_indirect_dma semaphore(%arg12 : memref<!tpu.dma_semaphore, #tpu.memory_space<semaphore_mem>>) src(%dma_wait3A_234 : memref<10000x128xf32, #tpu.memory_space<hbm>>) dst(%arg10 : memref<128x128xf32, #tpu.memory_space<vmem>>)
      %dma_start3A_235 = arith.constant 7 : i32
      %dma_start3A_236 = arith.constant 0 : i32
      %dma_start3A_237 = tpu.memref_slice %arg8[%dma_start3A_235, %dma_start3A_236] : memref<16x128xi32, #tpu.memory_space<vmem>> -> memref<1x128xi32, #tpu.memory_space<vmem>>
      %dma_start3A_238 = tpu.memref_squeeze %dma_start3A_237 : memref<1x128xi32, #tpu.memory_space<vmem>> -> memref<128xi32, #tpu.memory_space<vmem>>
      %dma_start3A_239 = arith.constant 0 : i32
      %dma_start3A_240 = arith.constant 0 : i32
      %dma_start3A_241 = tpu.memref_slice %arg15[%dma_start3A_239, %dma_start3A_240] : memref<10240x128xf32, #tpu.memory_space<vmem_shared>> -> memref<10240x128xf32, #tpu.memory_space<vmem_shared>>
      tpu.enqueue_indirect_dma source(%arg10 : memref<128x128xf32, #tpu.memory_space<vmem>>) target(%dma_start3A_241 : memref<10240x128xf32, #tpu.memory_space<vmem_shared>>) offsets(%dma_start3A_238 : memref<128xi32, #tpu.memory_space<vmem>>) semaphore(%arg14 : memref<!tpu.dma_semaphore, #tpu.memory_space<semaphore_mem>>) {add = true}
      %dma_wait3A_242 = arith.constant 0 : i32
      %dma_wait3A_243 = arith.constant 0 : i32
      %dma_wait3A_244 = tpu.memref_slice %arg8[%dma_wait3A_242, %dma_wait3A_243] : memref<16x128xi32, #tpu.memory_space<vmem>> -> memref<1x128xi32, #tpu.memory_space<vmem>>
      %dma_wait3A_245 = tpu.memref_squeeze %dma_wait3A_244 : memref<1x128xi32, #tpu.memory_space<vmem>> -> memref<128xi32, #tpu.memory_space<vmem>>
      %dma_wait3A_246 = arith.constant 0 : i32
      %dma_wait3A_247 = arith.constant 0 : i32
      %dma_wait3A_248 = tpu.memref_slice %arg15[%dma_wait3A_246, %dma_wait3A_247] : memref<10240x128xf32, #tpu.memory_space<vmem_shared>> -> memref<10240x128xf32, #tpu.memory_space<vmem_shared>>
      tpu.wait_indirect_dma semaphore(%arg14 : memref<!tpu.dma_semaphore, #tpu.memory_space<semaphore_mem>>) src(%arg10 : memref<128x128xf32, #tpu.memory_space<vmem>>) dst(%dma_wait3A_248 : memref<10240x128xf32, #tpu.memory_space<vmem_shared>>)
      %dma_start3A_249 = arith.constant 9 : i32
      %dma_start3A_250 = arith.constant 0 : i32
      %dma_start3A_251 = tpu.memref_slice %arg7[%dma_start3A_249, %dma_start3A_250] : memref<16x128xi32, #tpu.memory_space<vmem>> -> memref<1x128xi32, #tpu.memory_space<vmem>>
      %dma_start3A_252 = tpu.memref_squeeze %dma_start3A_251 : memref<1x128xi32, #tpu.memory_space<vmem>> -> memref<128xi32, #tpu.memory_space<vmem>>
      %dma_start3A_253 = arith.constant 0 : i32
      %dma_start3A_254 = arith.constant 0 : i32
      %dma_start3A_255 = tpu.memref_slice %arg2[%dma_start3A_253, %dma_start3A_254] : memref<10000x128xf32, #tpu.memory_space<hbm>> -> memref<10000x128xf32, #tpu.memory_space<hbm>>
      tpu.enqueue_indirect_dma source(%dma_start3A_255 : memref<10000x128xf32, #tpu.memory_space<hbm>>) target(%arg10 : memref<128x128xf32, #tpu.memory_space<vmem>>) offsets(%dma_start3A_252 : memref<128xi32, #tpu.memory_space<vmem>>) semaphore(%arg12 : memref<!tpu.dma_semaphore, #tpu.memory_space<semaphore_mem>>)
      %dma_wait3A_256 = arith.constant 0 : i32
      %dma_wait3A_257 = arith.constant 0 : i32
      %dma_wait3A_258 = tpu.memref_slice %arg7[%dma_wait3A_256, %dma_wait3A_257] : memref<16x128xi32, #tpu.memory_space<vmem>> -> memref<1x128xi32, #tpu.memory_space<vmem>>
      %dma_wait3A_259 = tpu.memref_squeeze %dma_wait3A_258 : memref<1x128xi32, #tpu.memory_space<vmem>> -> memref<128xi32, #tpu.memory_space<vmem>>
      %dma_wait3A_260 = arith.constant 0 : i32
      %dma_wait3A_261 = arith.constant 0 : i32
      %dma_wait3A_262 = tpu.memref_slice %arg2[%dma_wait3A_260, %dma_wait3A_261] : memref<10000x128xf32, #tpu.memory_space<hbm>> -> memref<10000x128xf32, #tpu.memory_space<hbm>>
      tpu.wait_indirect_dma semaphore(%arg11 : memref<!tpu.dma_semaphore, #tpu.memory_space<semaphore_mem>>) src(%dma_wait3A_262 : memref<10000x128xf32, #tpu.memory_space<hbm>>) dst(%arg9 : memref<128x128xf32, #tpu.memory_space<vmem>>)
      %dma_start3A_263 = arith.constant 8 : i32
      %dma_start3A_264 = arith.constant 0 : i32
      %dma_start3A_265 = tpu.memref_slice %arg8[%dma_start3A_263, %dma_start3A_264] : memref<16x128xi32, #tpu.memory_space<vmem>> -> memref<1x128xi32, #tpu.memory_space<vmem>>
      %dma_start3A_266 = tpu.memref_squeeze %dma_start3A_265 : memref<1x128xi32, #tpu.memory_space<vmem>> -> memref<128xi32, #tpu.memory_space<vmem>>
      %dma_start3A_267 = arith.constant 0 : i32
      %dma_start3A_268 = arith.constant 0 : i32
      %dma_start3A_269 = tpu.memref_slice %arg15[%dma_start3A_267, %dma_start3A_268] : memref<10240x128xf32, #tpu.memory_space<vmem_shared>> -> memref<10240x128xf32, #tpu.memory_space<vmem_shared>>
      tpu.enqueue_indirect_dma source(%arg9 : memref<128x128xf32, #tpu.memory_space<vmem>>) target(%dma_start3A_269 : memref<10240x128xf32, #tpu.memory_space<vmem_shared>>) offsets(%dma_start3A_266 : memref<128xi32, #tpu.memory_space<vmem>>) semaphore(%arg13 : memref<!tpu.dma_semaphore, #tpu.memory_space<semaphore_mem>>) {add = true}
      %dma_wait3A_270 = arith.constant 0 : i32
      %dma_wait3A_271 = arith.constant 0 : i32
      %dma_wait3A_272 = tpu.memref_slice %arg8[%dma_wait3A_270, %dma_wait3A_271] : memref<16x128xi32, #tpu.memory_space<vmem>> -> memref<1x128xi32, #tpu.memory_space<vmem>>
      %dma_wait3A_273 = tpu.memref_squeeze %dma_wait3A_272 : memref<1x128xi32, #tpu.memory_space<vmem>> -> memref<128xi32, #tpu.memory_space<vmem>>
      %dma_wait3A_274 = arith.constant 0 : i32
      %dma_wait3A_275 = arith.constant 0 : i32
      %dma_wait3A_276 = tpu.memref_slice %arg15[%dma_wait3A_274, %dma_wait3A_275] : memref<10240x128xf32, #tpu.memory_space<vmem_shared>> -> memref<10240x128xf32, #tpu.memory_space<vmem_shared>>
      tpu.wait_indirect_dma semaphore(%arg13 : memref<!tpu.dma_semaphore, #tpu.memory_space<semaphore_mem>>) src(%arg9 : memref<128x128xf32, #tpu.memory_space<vmem>>) dst(%dma_wait3A_276 : memref<10240x128xf32, #tpu.memory_space<vmem_shared>>)
      %dma_start3A_277 = arith.constant 10 : i32
      %dma_start3A_278 = arith.constant 0 : i32
      %dma_start3A_279 = tpu.memref_slice %arg7[%dma_start3A_277, %dma_start3A_278] : memref<16x128xi32, #tpu.memory_space<vmem>> -> memref<1x128xi32, #tpu.memory_space<vmem>>
      %dma_start3A_280 = tpu.memref_squeeze %dma_start3A_279 : memref<1x128xi32, #tpu.memory_space<vmem>> -> memref<128xi32, #tpu.memory_space<vmem>>
      %dma_start3A_281 = arith.constant 0 : i32
      %dma_start3A_282 = arith.constant 0 : i32
      %dma_start3A_283 = tpu.memref_slice %arg2[%dma_start3A_281, %dma_start3A_282] : memref<10000x128xf32, #tpu.memory_space<hbm>> -> memref<10000x128xf32, #tpu.memory_space<hbm>>
      tpu.enqueue_indirect_dma source(%dma_start3A_283 : memref<10000x128xf32, #tpu.memory_space<hbm>>) target(%arg9 : memref<128x128xf32, #tpu.memory_space<vmem>>) offsets(%dma_start3A_280 : memref<128xi32, #tpu.memory_space<vmem>>) semaphore(%arg11 : memref<!tpu.dma_semaphore, #tpu.memory_space<semaphore_mem>>)
      %dma_wait3A_284 = arith.constant 0 : i32
      %dma_wait3A_285 = arith.constant 0 : i32
      %dma_wait3A_286 = tpu.memref_slice %arg7[%dma_wait3A_284, %dma_wait3A_285] : memref<16x128xi32, #tpu.memory_space<vmem>> -> memref<1x128xi32, #tpu.memory_space<vmem>>
      %dma_wait3A_287 = tpu.memref_squeeze %dma_wait3A_286 : memref<1x128xi32, #tpu.memory_space<vmem>> -> memref<128xi32, #tpu.memory_space<vmem>>
      %dma_wait3A_288 = arith.constant 0 : i32
      %dma_wait3A_289 = arith.constant 0 : i32
      %dma_wait3A_290 = tpu.memref_slice %arg2[%dma_wait3A_288, %dma_wait3A_289] : memref<10000x128xf32, #tpu.memory_space<hbm>> -> memref<10000x128xf32, #tpu.memory_space<hbm>>
      tpu.wait_indirect_dma semaphore(%arg12 : memref<!tpu.dma_semaphore, #tpu.memory_space<semaphore_mem>>) src(%dma_wait3A_290 : memref<10000x128xf32, #tpu.memory_space<hbm>>) dst(%arg10 : memref<128x128xf32, #tpu.memory_space<vmem>>)
      %dma_start3A_291 = arith.constant 9 : i32
      %dma_start3A_292 = arith.constant 0 : i32
      %dma_start3A_293 = tpu.memref_slice %arg8[%dma_start3A_291, %dma_start3A_292] : memref<16x128xi32, #tpu.memory_space<vmem>> -> memref<1x128xi32, #tpu.memory_space<vmem>>
      %dma_start3A_294 = tpu.memref_squeeze %dma_start3A_293 : memref<1x128xi32, #tpu.memory_space<vmem>> -> memref<128xi32, #tpu.memory_space<vmem>>
      %dma_start3A_295 = arith.constant 0 : i32
      %dma_start3A_296 = arith.constant 0 : i32
      %dma_start3A_297 = tpu.memref_slice %arg15[%dma_start3A_295, %dma_start3A_296] : memref<10240x128xf32, #tpu.memory_space<vmem_shared>> -> memref<10240x128xf32, #tpu.memory_space<vmem_shared>>
      tpu.enqueue_indirect_dma source(%arg10 : memref<128x128xf32, #tpu.memory_space<vmem>>) target(%dma_start3A_297 : memref<10240x128xf32, #tpu.memory_space<vmem_shared>>) offsets(%dma_start3A_294 : memref<128xi32, #tpu.memory_space<vmem>>) semaphore(%arg14 : memref<!tpu.dma_semaphore, #tpu.memory_space<semaphore_mem>>) {add = true}
      %dma_wait3A_298 = arith.constant 0 : i32
      %dma_wait3A_299 = arith.constant 0 : i32
      %dma_wait3A_300 = tpu.memref_slice %arg8[%dma_wait3A_298, %dma_wait3A_299] : memref<16x128xi32, #tpu.memory_space<vmem>> -> memref<1x128xi32, #tpu.memory_space<vmem>>
      %dma_wait3A_301 = tpu.memref_squeeze %dma_wait3A_300 : memref<1x128xi32, #tpu.memory_space<vmem>> -> memref<128xi32, #tpu.memory_space<vmem>>
      %dma_wait3A_302 = arith.constant 0 : i32
      %dma_wait3A_303 = arith.constant 0 : i32
      %dma_wait3A_304 = tpu.memref_slice %arg15[%dma_wait3A_302, %dma_wait3A_303] : memref<10240x128xf32, #tpu.memory_space<vmem_shared>> -> memref<10240x128xf32, #tpu.memory_space<vmem_shared>>
      tpu.wait_indirect_dma semaphore(%arg14 : memref<!tpu.dma_semaphore, #tpu.memory_space<semaphore_mem>>) src(%arg10 : memref<128x128xf32, #tpu.memory_space<vmem>>) dst(%dma_wait3A_304 : memref<10240x128xf32, #tpu.memory_space<vmem_shared>>)
      %dma_start3A_305 = arith.constant 11 : i32
      %dma_start3A_306 = arith.constant 0 : i32
      %dma_start3A_307 = tpu.memref_slice %arg7[%dma_start3A_305, %dma_start3A_306] : memref<16x128xi32, #tpu.memory_space<vmem>> -> memref<1x128xi32, #tpu.memory_space<vmem>>
      %dma_start3A_308 = tpu.memref_squeeze %dma_start3A_307 : memref<1x128xi32, #tpu.memory_space<vmem>> -> memref<128xi32, #tpu.memory_space<vmem>>
      %dma_start3A_309 = arith.constant 0 : i32
      %dma_start3A_310 = arith.constant 0 : i32
      %dma_start3A_311 = tpu.memref_slice %arg2[%dma_start3A_309, %dma_start3A_310] : memref<10000x128xf32, #tpu.memory_space<hbm>> -> memref<10000x128xf32, #tpu.memory_space<hbm>>
      tpu.enqueue_indirect_dma source(%dma_start3A_311 : memref<10000x128xf32, #tpu.memory_space<hbm>>) target(%arg10 : memref<128x128xf32, #tpu.memory_space<vmem>>) offsets(%dma_start3A_308 : memref<128xi32, #tpu.memory_space<vmem>>) semaphore(%arg12 : memref<!tpu.dma_semaphore, #tpu.memory_space<semaphore_mem>>)
      %dma_wait3A_312 = arith.constant 0 : i32
      %dma_wait3A_313 = arith.constant 0 : i32
      %dma_wait3A_314 = tpu.memref_slice %arg7[%dma_wait3A_312, %dma_wait3A_313] : memref<16x128xi32, #tpu.memory_space<vmem>> -> memref<1x128xi32, #tpu.memory_space<vmem>>
      %dma_wait3A_315 = tpu.memref_squeeze %dma_wait3A_314 : memref<1x128xi32, #tpu.memory_space<vmem>> -> memref<128xi32, #tpu.memory_space<vmem>>
      %dma_wait3A_316 = arith.constant 0 : i32
      %dma_wait3A_317 = arith.constant 0 : i32
      %dma_wait3A_318 = tpu.memref_slice %arg2[%dma_wait3A_316, %dma_wait3A_317] : memref<10000x128xf32, #tpu.memory_space<hbm>> -> memref<10000x128xf32, #tpu.memory_space<hbm>>
      tpu.wait_indirect_dma semaphore(%arg11 : memref<!tpu.dma_semaphore, #tpu.memory_space<semaphore_mem>>) src(%dma_wait3A_318 : memref<10000x128xf32, #tpu.memory_space<hbm>>) dst(%arg9 : memref<128x128xf32, #tpu.memory_space<vmem>>)
      %dma_start3A_319 = arith.constant 10 : i32
      %dma_start3A_320 = arith.constant 0 : i32
      %dma_start3A_321 = tpu.memref_slice %arg8[%dma_start3A_319, %dma_start3A_320] : memref<16x128xi32, #tpu.memory_space<vmem>> -> memref<1x128xi32, #tpu.memory_space<vmem>>
      %dma_start3A_322 = tpu.memref_squeeze %dma_start3A_321 : memref<1x128xi32, #tpu.memory_space<vmem>> -> memref<128xi32, #tpu.memory_space<vmem>>
      %dma_start3A_323 = arith.constant 0 : i32
      %dma_start3A_324 = arith.constant 0 : i32
      %dma_start3A_325 = tpu.memref_slice %arg15[%dma_start3A_323, %dma_start3A_324] : memref<10240x128xf32, #tpu.memory_space<vmem_shared>> -> memref<10240x128xf32, #tpu.memory_space<vmem_shared>>
      tpu.enqueue_indirect_dma source(%arg9 : memref<128x128xf32, #tpu.memory_space<vmem>>) target(%dma_start3A_325 : memref<10240x128xf32, #tpu.memory_space<vmem_shared>>) offsets(%dma_start3A_322 : memref<128xi32, #tpu.memory_space<vmem>>) semaphore(%arg13 : memref<!tpu.dma_semaphore, #tpu.memory_space<semaphore_mem>>) {add = true}
      %dma_wait3A_326 = arith.constant 0 : i32
      %dma_wait3A_327 = arith.constant 0 : i32
      %dma_wait3A_328 = tpu.memref_slice %arg8[%dma_wait3A_326, %dma_wait3A_327] : memref<16x128xi32, #tpu.memory_space<vmem>> -> memref<1x128xi32, #tpu.memory_space<vmem>>
      %dma_wait3A_329 = tpu.memref_squeeze %dma_wait3A_328 : memref<1x128xi32, #tpu.memory_space<vmem>> -> memref<128xi32, #tpu.memory_space<vmem>>
      %dma_wait3A_330 = arith.constant 0 : i32
      %dma_wait3A_331 = arith.constant 0 : i32
      %dma_wait3A_332 = tpu.memref_slice %arg15[%dma_wait3A_330, %dma_wait3A_331] : memref<10240x128xf32, #tpu.memory_space<vmem_shared>> -> memref<10240x128xf32, #tpu.memory_space<vmem_shared>>
      tpu.wait_indirect_dma semaphore(%arg13 : memref<!tpu.dma_semaphore, #tpu.memory_space<semaphore_mem>>) src(%arg9 : memref<128x128xf32, #tpu.memory_space<vmem>>) dst(%dma_wait3A_332 : memref<10240x128xf32, #tpu.memory_space<vmem_shared>>)
      %dma_start3A_333 = arith.constant 12 : i32
      %dma_start3A_334 = arith.constant 0 : i32
      %dma_start3A_335 = tpu.memref_slice %arg7[%dma_start3A_333, %dma_start3A_334] : memref<16x128xi32, #tpu.memory_space<vmem>> -> memref<1x128xi32, #tpu.memory_space<vmem>>
      %dma_start3A_336 = tpu.memref_squeeze %dma_start3A_335 : memref<1x128xi32, #tpu.memory_space<vmem>> -> memref<128xi32, #tpu.memory_space<vmem>>
      %dma_start3A_337 = arith.constant 0 : i32
      %dma_start3A_338 = arith.constant 0 : i32
      %dma_start3A_339 = tpu.memref_slice %arg2[%dma_start3A_337, %dma_start3A_338] : memref<10000x128xf32, #tpu.memory_space<hbm>> -> memref<10000x128xf32, #tpu.memory_space<hbm>>
      tpu.enqueue_indirect_dma source(%dma_start3A_339 : memref<10000x128xf32, #tpu.memory_space<hbm>>) target(%arg9 : memref<128x128xf32, #tpu.memory_space<vmem>>) offsets(%dma_start3A_336 : memref<128xi32, #tpu.memory_space<vmem>>) semaphore(%arg11 : memref<!tpu.dma_semaphore, #tpu.memory_space<semaphore_mem>>)
      %dma_wait3A_340 = arith.constant 0 : i32
      %dma_wait3A_341 = arith.constant 0 : i32
      %dma_wait3A_342 = tpu.memref_slice %arg7[%dma_wait3A_340, %dma_wait3A_341] : memref<16x128xi32, #tpu.memory_space<vmem>> -> memref<1x128xi32, #tpu.memory_space<vmem>>
      %dma_wait3A_343 = tpu.memref_squeeze %dma_wait3A_342 : memref<1x128xi32, #tpu.memory_space<vmem>> -> memref<128xi32, #tpu.memory_space<vmem>>
      %dma_wait3A_344 = arith.constant 0 : i32
      %dma_wait3A_345 = arith.constant 0 : i32
      %dma_wait3A_346 = tpu.memref_slice %arg2[%dma_wait3A_344, %dma_wait3A_345] : memref<10000x128xf32, #tpu.memory_space<hbm>> -> memref<10000x128xf32, #tpu.memory_space<hbm>>
      tpu.wait_indirect_dma semaphore(%arg12 : memref<!tpu.dma_semaphore, #tpu.memory_space<semaphore_mem>>) src(%dma_wait3A_346 : memref<10000x128xf32, #tpu.memory_space<hbm>>) dst(%arg10 : memref<128x128xf32, #tpu.memory_space<vmem>>)
      %dma_start3A_347 = arith.constant 11 : i32
      %dma_start3A_348 = arith.constant 0 : i32
      %dma_start3A_349 = tpu.memref_slice %arg8[%dma_start3A_347, %dma_start3A_348] : memref<16x128xi32, #tpu.memory_space<vmem>> -> memref<1x128xi32, #tpu.memory_space<vmem>>
      %dma_start3A_350 = tpu.memref_squeeze %dma_start3A_349 : memref<1x128xi32, #tpu.memory_space<vmem>> -> memref<128xi32, #tpu.memory_space<vmem>>
      %dma_start3A_351 = arith.constant 0 : i32
      %dma_start3A_352 = arith.constant 0 : i32
      %dma_start3A_353 = tpu.memref_slice %arg15[%dma_start3A_351, %dma_start3A_352] : memref<10240x128xf32, #tpu.memory_space<vmem_shared>> -> memref<10240x128xf32, #tpu.memory_space<vmem_shared>>
      tpu.enqueue_indirect_dma source(%arg10 : memref<128x128xf32, #tpu.memory_space<vmem>>) target(%dma_start3A_353 : memref<10240x128xf32, #tpu.memory_space<vmem_shared>>) offsets(%dma_start3A_350 : memref<128xi32, #tpu.memory_space<vmem>>) semaphore(%arg14 : memref<!tpu.dma_semaphore, #tpu.memory_space<semaphore_mem>>) {add = true}
      %dma_wait3A_354 = arith.constant 0 : i32
      %dma_wait3A_355 = arith.constant 0 : i32
      %dma_wait3A_356 = tpu.memref_slice %arg8[%dma_wait3A_354, %dma_wait3A_355] : memref<16x128xi32, #tpu.memory_space<vmem>> -> memref<1x128xi32, #tpu.memory_space<vmem>>
      %dma_wait3A_357 = tpu.memref_squeeze %dma_wait3A_356 : memref<1x128xi32, #tpu.memory_space<vmem>> -> memref<128xi32, #tpu.memory_space<vmem>>
      %dma_wait3A_358 = arith.constant 0 : i32
      %dma_wait3A_359 = arith.constant 0 : i32
      %dma_wait3A_360 = tpu.memref_slice %arg15[%dma_wait3A_358, %dma_wait3A_359] : memref<10240x128xf32, #tpu.memory_space<vmem_shared>> -> memref<10240x128xf32, #tpu.memory_space<vmem_shared>>
      tpu.wait_indirect_dma semaphore(%arg14 : memref<!tpu.dma_semaphore, #tpu.memory_space<semaphore_mem>>) src(%arg10 : memref<128x128xf32, #tpu.memory_space<vmem>>) dst(%dma_wait3A_360 : memref<10240x128xf32, #tpu.memory_space<vmem_shared>>)
      %dma_start3A_361 = arith.constant 13 : i32
      %dma_start3A_362 = arith.constant 0 : i32
      %dma_start3A_363 = tpu.memref_slice %arg7[%dma_start3A_361, %dma_start3A_362] : memref<16x128xi32, #tpu.memory_space<vmem>> -> memref<1x128xi32, #tpu.memory_space<vmem>>
      %dma_start3A_364 = tpu.memref_squeeze %dma_start3A_363 : memref<1x128xi32, #tpu.memory_space<vmem>> -> memref<128xi32, #tpu.memory_space<vmem>>
      %dma_start3A_365 = arith.constant 0 : i32
      %dma_start3A_366 = arith.constant 0 : i32
      %dma_start3A_367 = tpu.memref_slice %arg2[%dma_start3A_365, %dma_start3A_366] : memref<10000x128xf32, #tpu.memory_space<hbm>> -> memref<10000x128xf32, #tpu.memory_space<hbm>>
      tpu.enqueue_indirect_dma source(%dma_start3A_367 : memref<10000x128xf32, #tpu.memory_space<hbm>>) target(%arg10 : memref<128x128xf32, #tpu.memory_space<vmem>>) offsets(%dma_start3A_364 : memref<128xi32, #tpu.memory_space<vmem>>) semaphore(%arg12 : memref<!tpu.dma_semaphore, #tpu.memory_space<semaphore_mem>>)
      %dma_wait3A_368 = arith.constant 0 : i32
      %dma_wait3A_369 = arith.constant 0 : i32
      %dma_wait3A_370 = tpu.memref_slice %arg7[%dma_wait3A_368, %dma_wait3A_369] : memref<16x128xi32, #tpu.memory_space<vmem>> -> memref<1x128xi32, #tpu.memory_space<vmem>>
      %dma_wait3A_371 = tpu.memref_squeeze %dma_wait3A_370 : memref<1x128xi32, #tpu.memory_space<vmem>> -> memref<128xi32, #tpu.memory_space<vmem>>
      %dma_wait3A_372 = arith.constant 0 : i32
      %dma_wait3A_373 = arith.constant 0 : i32
      %dma_wait3A_374 = tpu.memref_slice %arg2[%dma_wait3A_372, %dma_wait3A_373] : memref<10000x128xf32, #tpu.memory_space<hbm>> -> memref<10000x128xf32, #tpu.memory_space<hbm>>
      tpu.wait_indirect_dma semaphore(%arg11 : memref<!tpu.dma_semaphore, #tpu.memory_space<semaphore_mem>>) src(%dma_wait3A_374 : memref<10000x128xf32, #tpu.memory_space<hbm>>) dst(%arg9 : memref<128x128xf32, #tpu.memory_space<vmem>>)
      %dma_start3A_375 = arith.constant 12 : i32
      %dma_start3A_376 = arith.constant 0 : i32
      %dma_start3A_377 = tpu.memref_slice %arg8[%dma_start3A_375, %dma_start3A_376] : memref<16x128xi32, #tpu.memory_space<vmem>> -> memref<1x128xi32, #tpu.memory_space<vmem>>
      %dma_start3A_378 = tpu.memref_squeeze %dma_start3A_377 : memref<1x128xi32, #tpu.memory_space<vmem>> -> memref<128xi32, #tpu.memory_space<vmem>>
      %dma_start3A_379 = arith.constant 0 : i32
      %dma_start3A_380 = arith.constant 0 : i32
      %dma_start3A_381 = tpu.memref_slice %arg15[%dma_start3A_379, %dma_start3A_380] : memref<10240x128xf32, #tpu.memory_space<vmem_shared>> -> memref<10240x128xf32, #tpu.memory_space<vmem_shared>>
      tpu.enqueue_indirect_dma source(%arg9 : memref<128x128xf32, #tpu.memory_space<vmem>>) target(%dma_start3A_381 : memref<10240x128xf32, #tpu.memory_space<vmem_shared>>) offsets(%dma_start3A_378 : memref<128xi32, #tpu.memory_space<vmem>>) semaphore(%arg13 : memref<!tpu.dma_semaphore, #tpu.memory_space<semaphore_mem>>) {add = true}
      %dma_wait3A_382 = arith.constant 0 : i32
      %dma_wait3A_383 = arith.constant 0 : i32
      %dma_wait3A_384 = tpu.memref_slice %arg8[%dma_wait3A_382, %dma_wait3A_383] : memref<16x128xi32, #tpu.memory_space<vmem>> -> memref<1x128xi32, #tpu.memory_space<vmem>>
      %dma_wait3A_385 = tpu.memref_squeeze %dma_wait3A_384 : memref<1x128xi32, #tpu.memory_space<vmem>> -> memref<128xi32, #tpu.memory_space<vmem>>
      %dma_wait3A_386 = arith.constant 0 : i32
      %dma_wait3A_387 = arith.constant 0 : i32
      %dma_wait3A_388 = tpu.memref_slice %arg15[%dma_wait3A_386, %dma_wait3A_387] : memref<10240x128xf32, #tpu.memory_space<vmem_shared>> -> memref<10240x128xf32, #tpu.memory_space<vmem_shared>>
      tpu.wait_indirect_dma semaphore(%arg13 : memref<!tpu.dma_semaphore, #tpu.memory_space<semaphore_mem>>) src(%arg9 : memref<128x128xf32, #tpu.memory_space<vmem>>) dst(%dma_wait3A_388 : memref<10240x128xf32, #tpu.memory_space<vmem_shared>>)
      %dma_start3A_389 = arith.constant 14 : i32
      %dma_start3A_390 = arith.constant 0 : i32
      %dma_start3A_391 = tpu.memref_slice %arg7[%dma_start3A_389, %dma_start3A_390] : memref<16x128xi32, #tpu.memory_space<vmem>> -> memref<1x128xi32, #tpu.memory_space<vmem>>
      %dma_start3A_392 = tpu.memref_squeeze %dma_start3A_391 : memref<1x128xi32, #tpu.memory_space<vmem>> -> memref<128xi32, #tpu.memory_space<vmem>>
      %dma_start3A_393 = arith.constant 0 : i32
      %dma_start3A_394 = arith.constant 0 : i32
      %dma_start3A_395 = tpu.memref_slice %arg2[%dma_start3A_393, %dma_start3A_394] : memref<10000x128xf32, #tpu.memory_space<hbm>> -> memref<10000x128xf32, #tpu.memory_space<hbm>>
      tpu.enqueue_indirect_dma source(%dma_start3A_395 : memref<10000x128xf32, #tpu.memory_space<hbm>>) target(%arg9 : memref<128x128xf32, #tpu.memory_space<vmem>>) offsets(%dma_start3A_392 : memref<128xi32, #tpu.memory_space<vmem>>) semaphore(%arg11 : memref<!tpu.dma_semaphore, #tpu.memory_space<semaphore_mem>>)
      %dma_wait3A_396 = arith.constant 0 : i32
      %dma_wait3A_397 = arith.constant 0 : i32
      %dma_wait3A_398 = tpu.memref_slice %arg7[%dma_wait3A_396, %dma_wait3A_397] : memref<16x128xi32, #tpu.memory_space<vmem>> -> memref<1x128xi32, #tpu.memory_space<vmem>>
      %dma_wait3A_399 = tpu.memref_squeeze %dma_wait3A_398 : memref<1x128xi32, #tpu.memory_space<vmem>> -> memref<128xi32, #tpu.memory_space<vmem>>
      %dma_wait3A_400 = arith.constant 0 : i32
      %dma_wait3A_401 = arith.constant 0 : i32
      %dma_wait3A_402 = tpu.memref_slice %arg2[%dma_wait3A_400, %dma_wait3A_401] : memref<10000x128xf32, #tpu.memory_space<hbm>> -> memref<10000x128xf32, #tpu.memory_space<hbm>>
      tpu.wait_indirect_dma semaphore(%arg12 : memref<!tpu.dma_semaphore, #tpu.memory_space<semaphore_mem>>) src(%dma_wait3A_402 : memref<10000x128xf32, #tpu.memory_space<hbm>>) dst(%arg10 : memref<128x128xf32, #tpu.memory_space<vmem>>)
      %dma_start3A_403 = arith.constant 13 : i32
      %dma_start3A_404 = arith.constant 0 : i32
      %dma_start3A_405 = tpu.memref_slice %arg8[%dma_start3A_403, %dma_start3A_404] : memref<16x128xi32, #tpu.memory_space<vmem>> -> memref<1x128xi32, #tpu.memory_space<vmem>>
      %dma_start3A_406 = tpu.memref_squeeze %dma_start3A_405 : memref<1x128xi32, #tpu.memory_space<vmem>> -> memref<128xi32, #tpu.memory_space<vmem>>
      %dma_start3A_407 = arith.constant 0 : i32
      %dma_start3A_408 = arith.constant 0 : i32
      %dma_start3A_409 = tpu.memref_slice %arg15[%dma_start3A_407, %dma_start3A_408] : memref<10240x128xf32, #tpu.memory_space<vmem_shared>> -> memref<10240x128xf32, #tpu.memory_space<vmem_shared>>
      tpu.enqueue_indirect_dma source(%arg10 : memref<128x128xf32, #tpu.memory_space<vmem>>) target(%dma_start3A_409 : memref<10240x128xf32, #tpu.memory_space<vmem_shared>>) offsets(%dma_start3A_406 : memref<128xi32, #tpu.memory_space<vmem>>) semaphore(%arg14 : memref<!tpu.dma_semaphore, #tpu.memory_space<semaphore_mem>>) {add = true}
      %dma_wait3A_410 = arith.constant 0 : i32
      %dma_wait3A_411 = arith.constant 0 : i32
      %dma_wait3A_412 = tpu.memref_slice %arg8[%dma_wait3A_410, %dma_wait3A_411] : memref<16x128xi32, #tpu.memory_space<vmem>> -> memref<1x128xi32, #tpu.memory_space<vmem>>
      %dma_wait3A_413 = tpu.memref_squeeze %dma_wait3A_412 : memref<1x128xi32, #tpu.memory_space<vmem>> -> memref<128xi32, #tpu.memory_space<vmem>>
      %dma_wait3A_414 = arith.constant 0 : i32
      %dma_wait3A_415 = arith.constant 0 : i32
      %dma_wait3A_416 = tpu.memref_slice %arg15[%dma_wait3A_414, %dma_wait3A_415] : memref<10240x128xf32, #tpu.memory_space<vmem_shared>> -> memref<10240x128xf32, #tpu.memory_space<vmem_shared>>
      tpu.wait_indirect_dma semaphore(%arg14 : memref<!tpu.dma_semaphore, #tpu.memory_space<semaphore_mem>>) src(%arg10 : memref<128x128xf32, #tpu.memory_space<vmem>>) dst(%dma_wait3A_416 : memref<10240x128xf32, #tpu.memory_space<vmem_shared>>)
      %dma_start3A_417 = arith.constant 15 : i32
      %dma_start3A_418 = arith.constant 0 : i32
      %dma_start3A_419 = tpu.memref_slice %arg7[%dma_start3A_417, %dma_start3A_418] : memref<16x128xi32, #tpu.memory_space<vmem>> -> memref<1x128xi32, #tpu.memory_space<vmem>>
      %dma_start3A_420 = tpu.memref_squeeze %dma_start3A_419 : memref<1x128xi32, #tpu.memory_space<vmem>> -> memref<128xi32, #tpu.memory_space<vmem>>
      %dma_start3A_421 = arith.constant 0 : i32
      %dma_start3A_422 = arith.constant 0 : i32
      %dma_start3A_423 = tpu.memref_slice %arg2[%dma_start3A_421, %dma_start3A_422] : memref<10000x128xf32, #tpu.memory_space<hbm>> -> memref<10000x128xf32, #tpu.memory_space<hbm>>
      tpu.enqueue_indirect_dma source(%dma_start3A_423 : memref<10000x128xf32, #tpu.memory_space<hbm>>) target(%arg10 : memref<128x128xf32, #tpu.memory_space<vmem>>) offsets(%dma_start3A_420 : memref<128xi32, #tpu.memory_space<vmem>>) semaphore(%arg12 : memref<!tpu.dma_semaphore, #tpu.memory_space<semaphore_mem>>)
      %dma_wait3A_424 = arith.constant 0 : i32
      %dma_wait3A_425 = arith.constant 0 : i32
      %dma_wait3A_426 = tpu.memref_slice %arg7[%dma_wait3A_424, %dma_wait3A_425] : memref<16x128xi32, #tpu.memory_space<vmem>> -> memref<1x128xi32, #tpu.memory_space<vmem>>
      %dma_wait3A_427 = tpu.memref_squeeze %dma_wait3A_426 : memref<1x128xi32, #tpu.memory_space<vmem>> -> memref<128xi32, #tpu.memory_space<vmem>>
      %dma_wait3A_428 = arith.constant 0 : i32
      %dma_wait3A_429 = arith.constant 0 : i32
      %dma_wait3A_430 = tpu.memref_slice %arg2[%dma_wait3A_428, %dma_wait3A_429] : memref<10000x128xf32, #tpu.memory_space<hbm>> -> memref<10000x128xf32, #tpu.memory_space<hbm>>
      tpu.wait_indirect_dma semaphore(%arg11 : memref<!tpu.dma_semaphore, #tpu.memory_space<semaphore_mem>>) src(%dma_wait3A_430 : memref<10000x128xf32, #tpu.memory_space<hbm>>) dst(%arg9 : memref<128x128xf32, #tpu.memory_space<vmem>>)
      %dma_start3A_431 = arith.constant 14 : i32
      %dma_start3A_432 = arith.constant 0 : i32
      %dma_start3A_433 = tpu.memref_slice %arg8[%dma_start3A_431, %dma_start3A_432] : memref<16x128xi32, #tpu.memory_space<vmem>> -> memref<1x128xi32, #tpu.memory_space<vmem>>
      %dma_start3A_434 = tpu.memref_squeeze %dma_start3A_433 : memref<1x128xi32, #tpu.memory_space<vmem>> -> memref<128xi32, #tpu.memory_space<vmem>>
      %dma_start3A_435 = arith.constant 0 : i32
      %dma_start3A_436 = arith.constant 0 : i32
      %dma_start3A_437 = tpu.memref_slice %arg15[%dma_start3A_435, %dma_start3A_436] : memref<10240x128xf32, #tpu.memory_space<vmem_shared>> -> memref<10240x128xf32, #tpu.memory_space<vmem_shared>>
      tpu.enqueue_indirect_dma source(%arg9 : memref<128x128xf32, #tpu.memory_space<vmem>>) target(%dma_start3A_437 : memref<10240x128xf32, #tpu.memory_space<vmem_shared>>) offsets(%dma_start3A_434 : memref<128xi32, #tpu.memory_space<vmem>>) semaphore(%arg13 : memref<!tpu.dma_semaphore, #tpu.memory_space<semaphore_mem>>) {add = true}
      %dma_wait3A_438 = arith.constant 0 : i32
      %dma_wait3A_439 = arith.constant 0 : i32
      %dma_wait3A_440 = tpu.memref_slice %arg7[%dma_wait3A_438, %dma_wait3A_439] : memref<16x128xi32, #tpu.memory_space<vmem>> -> memref<1x128xi32, #tpu.memory_space<vmem>>
      %dma_wait3A_441 = tpu.memref_squeeze %dma_wait3A_440 : memref<1x128xi32, #tpu.memory_space<vmem>> -> memref<128xi32, #tpu.memory_space<vmem>>
      %dma_wait3A_442 = arith.constant 0 : i32
      %dma_wait3A_443 = arith.constant 0 : i32
      %dma_wait3A_444 = tpu.memref_slice %arg2[%dma_wait3A_442, %dma_wait3A_443] : memref<10000x128xf32, #tpu.memory_space<hbm>> -> memref<10000x128xf32, #tpu.memory_space<hbm>>
      tpu.wait_indirect_dma semaphore(%arg12 : memref<!tpu.dma_semaphore, #tpu.memory_space<semaphore_mem>>) src(%dma_wait3A_444 : memref<10000x128xf32, #tpu.memory_space<hbm>>) dst(%arg10 : memref<128x128xf32, #tpu.memory_space<vmem>>)
      %dma_start3A_445 = arith.constant 15 : i32
      %dma_start3A_446 = arith.constant 0 : i32
      %dma_start3A_447 = tpu.memref_slice %arg8[%dma_start3A_445, %dma_start3A_446] : memref<16x128xi32, #tpu.memory_space<vmem>> -> memref<1x128xi32, #tpu.memory_space<vmem>>
      %dma_start3A_448 = tpu.memref_squeeze %dma_start3A_447 : memref<1x128xi32, #tpu.memory_space<vmem>> -> memref<128xi32, #tpu.memory_space<vmem>>
      %dma_start3A_449 = arith.constant 0 : i32
      %dma_start3A_450 = arith.constant 0 : i32
      %dma_start3A_451 = tpu.memref_slice %arg15[%dma_start3A_449, %dma_start3A_450] : memref<10240x128xf32, #tpu.memory_space<vmem_shared>> -> memref<10240x128xf32, #tpu.memory_space<vmem_shared>>
      tpu.enqueue_indirect_dma source(%arg10 : memref<128x128xf32, #tpu.memory_space<vmem>>) target(%dma_start3A_451 : memref<10240x128xf32, #tpu.memory_space<vmem_shared>>) offsets(%dma_start3A_448 : memref<128xi32, #tpu.memory_space<vmem>>) semaphore(%arg14 : memref<!tpu.dma_semaphore, #tpu.memory_space<semaphore_mem>>) {add = true}
      %dma_wait3A_452 = arith.constant 0 : i32
      %dma_wait3A_453 = arith.constant 0 : i32
      %dma_wait3A_454 = tpu.memref_slice %arg8[%dma_wait3A_452, %dma_wait3A_453] : memref<16x128xi32, #tpu.memory_space<vmem>> -> memref<1x128xi32, #tpu.memory_space<vmem>>
      %dma_wait3A_455 = tpu.memref_squeeze %dma_wait3A_454 : memref<1x128xi32, #tpu.memory_space<vmem>> -> memref<128xi32, #tpu.memory_space<vmem>>
      %dma_wait3A_456 = arith.constant 0 : i32
      %dma_wait3A_457 = arith.constant 0 : i32
      %dma_wait3A_458 = tpu.memref_slice %arg15[%dma_wait3A_456, %dma_wait3A_457] : memref<10240x128xf32, #tpu.memory_space<vmem_shared>> -> memref<10240x128xf32, #tpu.memory_space<vmem_shared>>
      tpu.wait_indirect_dma semaphore(%arg13 : memref<!tpu.dma_semaphore, #tpu.memory_space<semaphore_mem>>) src(%arg9 : memref<128x128xf32, #tpu.memory_space<vmem>>) dst(%dma_wait3A_458 : memref<10240x128xf32, #tpu.memory_space<vmem_shared>>)
      %dma_wait3A_459 = arith.constant 0 : i32
      %dma_wait3A_460 = arith.constant 0 : i32
      %dma_wait3A_461 = tpu.memref_slice %arg8[%dma_wait3A_459, %dma_wait3A_460] : memref<16x128xi32, #tpu.memory_space<vmem>> -> memref<1x128xi32, #tpu.memory_space<vmem>>
      %dma_wait3A_462 = tpu.memref_squeeze %dma_wait3A_461 : memref<1x128xi32, #tpu.memory_space<vmem>> -> memref<128xi32, #tpu.memory_space<vmem>>
      %dma_wait3A_463 = arith.constant 0 : i32
      %dma_wait3A_464 = arith.constant 0 : i32
      %dma_wait3A_465 = tpu.memref_slice %arg15[%dma_wait3A_463, %dma_wait3A_464] : memref<10240x128xf32, #tpu.memory_space<vmem_shared>> -> memref<10240x128xf32, #tpu.memory_space<vmem_shared>>
      tpu.wait_indirect_dma semaphore(%arg14 : memref<!tpu.dma_semaphore, #tpu.memory_space<semaphore_mem>>) src(%arg10 : memref<128x128xf32, #tpu.memory_space<vmem>>) dst(%dma_wait3A_465 : memref<10240x128xf32, #tpu.memory_space<vmem_shared>>)
    }
    %scan3A_8 = arith.constant 5 : i32
    %barrier3A_9 = arith.constant 0 : index
    tpu.barrier barrier_id(%barrier3A_9)
    %mul3A_10 = arith.constant 640 : i32
    %mul3A_11 = arith.muli %arg1, %mul3A_10 : i32
    %mul3A_12 = arith.constant 640 : i32
    %mul3A_13 = arith.muli %arg1, %mul3A_12 : i32
    "tpu.region"() ({
      %run_scoped3A = tpu.sem_alloc : memref<!tpu.dma_semaphore, #tpu.memory_space<semaphore_mem>>
      %dma_start3A = arith.constant 0 : i32
      %dma_start3A_14 = tpu.memref_slice %arg6[%arg0, %mul3A_13, %dma_start3A] : memref<2x10240x128xf32, #tpu.memory_space<hbm>> -> memref<1x640x128xf32, #tpu.memory_space<hbm>>
      %dma_start3A_15 = tpu.memref_squeeze %dma_start3A_14 : memref<1x640x128xf32, #tpu.memory_space<hbm>> -> memref<640x128xf32, #tpu.memory_space<hbm>>
      %dma_start3A_16 = arith.constant 0 : i32
      %dma_start3A_17 = tpu.memref_slice %arg15[%mul3A_11, %dma_start3A_16] : memref<10240x128xf32, #tpu.memory_space<vmem_shared>> -> memref<640x128xf32, #tpu.memory_space<vmem_shared>>
      tpu.enqueue_dma source(%dma_start3A_17 : memref<640x128xf32, #tpu.memory_space<vmem_shared>>) target(%dma_start3A_15 : memref<640x128xf32, #tpu.memory_space<hbm>>) target_semaphore(%run_scoped3A : memref<!tpu.dma_semaphore, #tpu.memory_space<semaphore_mem>>)
      %dma_wait3A = arith.constant 0 : i32
      %dma_wait3A_18 = tpu.memref_slice %arg6[%arg0, %mul3A_13, %dma_wait3A] : memref<2x10240x128xf32, #tpu.memory_space<hbm>> -> memref<1x640x128xf32, #tpu.memory_space<hbm>>
      %dma_wait3A_19 = tpu.memref_squeeze %dma_wait3A_18 : memref<1x640x128xf32, #tpu.memory_space<hbm>> -> memref<640x128xf32, #tpu.memory_space<hbm>>
      %dma_wait3A_20 = arith.constant 0 : i32
      %dma_wait3A_21 = tpu.memref_slice %arg15[%mul3A_11, %dma_wait3A_20] : memref<10240x128xf32, #tpu.memory_space<vmem_shared>> -> memref<640x128xf32, #tpu.memory_space<vmem_shared>>
      tpu.wait_dma2 semaphore(%run_scoped3A : memref<!tpu.dma_semaphore, #tpu.memory_space<semaphore_mem>>) src(%dma_wait3A_21 : memref<640x128xf32, #tpu.memory_space<vmem_shared>>) dst(%dma_wait3A_19 : memref<640x128xf32, #tpu.memory_space<hbm>>)
      tpu.yield
    }) : () -> ()
    return
  }
}

#map = affine_map<(d0, d1) -> (0, 0, 0)>
#map1 = affine_map<(d0, d1) -> (0, 0)>
module attributes {stable_mosaic.version = 14 : i64} {
  func.func @sc_degree(%arg0: i32, %arg1: i32, %arg2: memref<32x80x128xi32, #tpu.memory_space<hbm>>, %arg3: memref<32x10240xf32, #tpu.memory_space<hbm>>, %arg4: memref<80x128xi32, #tpu.memory_space<vmem>>, %arg5: memref<10240xf32, #tpu.memory_space<vmem>>) attributes {dimension_semantics = [#tpu.dimension_semantics<core_parallel>, #tpu.dimension_semantics<subcore_parallel>], iteration_bounds = array<i64: 2, 16>, scalar_prefetch = 0 : i64, scratch_operands = 2 : i64, tpu.core_type = #tpu.core_type<sc_vector_subcore>, window_params = [{transform_indices = #map}, {transform_indices = #map1}]} {
    %mul3A = arith.constant 16 : i32
    %mul3A_0 = arith.muli %arg0, %mul3A : i32
    %add3A = arith.addi %mul3A_0, %arg1 : i32
    "tpu.region"() ({
      %run_scoped3A = tpu.sem_alloc : memref<!tpu.dma_semaphore, #tpu.memory_space<semaphore_mem>>
      %dma_start3A = arith.constant 0 : i32
      %dma_start3A_11 = arith.constant 0 : i32
      %dma_start3A_12 = tpu.memref_slice %arg2[%add3A, %dma_start3A, %dma_start3A_11] : memref<32x80x128xi32, #tpu.memory_space<hbm>> -> memref<1x80x128xi32, #tpu.memory_space<hbm>>
      %dma_start3A_13 = tpu.memref_squeeze %dma_start3A_12 : memref<1x80x128xi32, #tpu.memory_space<hbm>> -> memref<80x128xi32, #tpu.memory_space<hbm>>
      %dma_start3A_14 = arith.constant 0 : i32
      %dma_start3A_15 = arith.constant 0 : i32
      %dma_start3A_16 = tpu.memref_slice %arg2[%add3A, %dma_start3A_14, %dma_start3A_15] : memref<32x80x128xi32, #tpu.memory_space<hbm>> -> memref<1x80x128xi32, #tpu.memory_space<hbm>>
      %dma_start3A_17 = tpu.memref_squeeze %dma_start3A_16 : memref<1x80x128xi32, #tpu.memory_space<hbm>> -> memref<80x128xi32, #tpu.memory_space<hbm>>
      tpu.enqueue_dma source(%dma_start3A_17 : memref<80x128xi32, #tpu.memory_space<hbm>>) target(%arg4 : memref<80x128xi32, #tpu.memory_space<vmem>>) target_semaphore(%run_scoped3A : memref<!tpu.dma_semaphore, #tpu.memory_space<semaphore_mem>>)
      %dma_wait3A = arith.constant 0 : i32
      %dma_wait3A_18 = arith.constant 0 : i32
      %dma_wait3A_19 = tpu.memref_slice %arg2[%add3A, %dma_wait3A, %dma_wait3A_18] : memref<32x80x128xi32, #tpu.memory_space<hbm>> -> memref<1x80x128xi32, #tpu.memory_space<hbm>>
      %dma_wait3A_20 = tpu.memref_squeeze %dma_wait3A_19 : memref<1x80x128xi32, #tpu.memory_space<hbm>> -> memref<80x128xi32, #tpu.memory_space<hbm>>
      %dma_wait3A_21 = arith.constant 0 : i32
      %dma_wait3A_22 = arith.constant 0 : i32
      %dma_wait3A_23 = tpu.memref_slice %arg2[%add3A, %dma_wait3A_21, %dma_wait3A_22] : memref<32x80x128xi32, #tpu.memory_space<hbm>> -> memref<1x80x128xi32, #tpu.memory_space<hbm>>
      %dma_wait3A_24 = tpu.memref_squeeze %dma_wait3A_23 : memref<1x80x128xi32, #tpu.memory_space<hbm>> -> memref<80x128xi32, #tpu.memory_space<hbm>>
      tpu.wait_dma2 semaphore(%run_scoped3A : memref<!tpu.dma_semaphore, #tpu.memory_space<semaphore_mem>>) src(%dma_wait3A_24 : memref<80x128xi32, #tpu.memory_space<hbm>>) dst(%arg4 : memref<80x128xi32, #tpu.memory_space<vmem>>)
      tpu.yield
    }) : () -> ()
    %scan3A = arith.constant 0 : i32
    %scan3A_1 = arith.constant 640 : i32
    %scan3A_2 = arith.addi %scan3A, %scan3A_1 : i32
    %scan3A_3 = arith.constant 1 : i32
    scf.for %scan3A_11 = %scan3A to %scan3A_2 step %scan3A_3  : i32 {
      %mul3A_12 = arith.constant 1 : i32
      %mul3A_13 = arith.muli %scan3A_11, %mul3A_12 : i32
      %add3A_14 = arith.constant 0 : i32
      %add3A_15 = arith.addi %add3A_14, %mul3A_13 : i32
      %broadcast_in_dim3A_16 = arith.constant 0.000000e+00 : f32
      %broadcast_in_dim3A_17 = vector.broadcast %broadcast_in_dim3A_16 : f32 to vector<16xf32>
      %mul3A_18 = arith.constant 16 : i32
      %mul3A_19 = arith.muli %add3A_15, %mul3A_18 : i32
      %swap3A = arith.index_cast %mul3A_19 : i32 to index
      %swap3A_20 = tpu.vector_load %arg5[%swap3A] {strides = array<i32>} : memref<10240xf32, #tpu.memory_space<vmem>>, vector<16xf32>,
      tpu.vector_store %arg5[%swap3A], %broadcast_in_dim3A_17 {strides = array<i32>} : memref<10240xf32, #tpu.memory_space<vmem>>, vector<16xf32>,
    }
    %scan3A_4 = arith.constant 640 : i32
    %broadcast_in_dim3A = arith.constant 1.000000e+00 : f32
    %broadcast_in_dim3A_5 = vector.broadcast %broadcast_in_dim3A : f32 to vector<16xf32>
    %scan3A_6 = arith.constant 0 : i32
    %scan3A_7 = arith.constant 80 : i32
    %scan3A_8 = arith.addi %scan3A_6, %scan3A_7 : i32
    %scan3A_9 = arith.constant 1 : i32
    scf.for %scan3A_11 = %scan3A_6 to %scan3A_8 step %scan3A_9  : i32 {
      %mul3A_12 = arith.constant 1 : i32
      %mul3A_13 = arith.muli %scan3A_11, %mul3A_12 : i32
      %add3A_14 = arith.constant 0 : i32
      %add3A_15 = arith.addi %add3A_14, %mul3A_13 : i32
      %scan3A_16 = arith.constant 0 : i32
      %scan3A_17 = arith.constant 8 : i32
      %scan3A_18 = arith.addi %scan3A_16, %scan3A_17 : i32
      %scan3A_19 = arith.constant 1 : i32
      scf.for %scan3A_21 = %scan3A_16 to %scan3A_18 step %scan3A_19  : i32 {
        %mul3A_22 = arith.constant 1 : i32
        %mul3A_23 = arith.muli %scan3A_21, %mul3A_22 : i32
        %add3A_24 = arith.constant 0 : i32
        %add3A_25 = arith.addi %add3A_24, %mul3A_23 : i32
        %mul3A_26 = arith.constant 16 : i32
        %mul3A_27 = arith.muli %add3A_25, %mul3A_26 : i32
        %get3A = arith.index_cast %add3A_15 : i32 to index
        %get3A_28 = arith.index_cast %mul3A_27 : i32 to index
        %get3A_29 = tpu.vector_load %arg4[%get3A, %get3A_28] {strides = array<i32>} : memref<80x128xi32, #tpu.memory_space<vmem>>, vector<16xi32>,
        tpu.vector_store_idx %arg5[%get3A_29], %broadcast_in_dim3A_5 {add = true} : memref<10240xf32, #tpu.memory_space<vmem>>[vector<16xi32>], vector<16xf32>,
      }
      %scan3A_20 = arith.constant 8 : i32
    }
    %scan3A_10 = arith.constant 80 : i32
    "tpu.region"() ({
      %run_scoped3A = tpu.sem_alloc : memref<!tpu.dma_semaphore, #tpu.memory_space<semaphore_mem>>
      %dma_start3A = arith.constant 0 : i32
      %dma_start3A_11 = tpu.memref_slice %arg3[%add3A, %dma_start3A] : memref<32x10240xf32, #tpu.memory_space<hbm>> -> memref<1x10240xf32, #tpu.memory_space<hbm>>
      %dma_start3A_12 = tpu.memref_squeeze %dma_start3A_11 : memref<1x10240xf32, #tpu.memory_space<hbm>> -> memref<10240xf32, #tpu.memory_space<hbm>>
      %dma_start3A_13 = arith.constant 0 : i32
      %dma_start3A_14 = tpu.memref_slice %arg3[%add3A, %dma_start3A_13] : memref<32x10240xf32, #tpu.memory_space<hbm>> -> memref<1x10240xf32, #tpu.memory_space<hbm>>
      %dma_start3A_15 = tpu.memref_squeeze %dma_start3A_14 : memref<1x10240xf32, #tpu.memory_space<hbm>> -> memref<10240xf32, #tpu.memory_space<hbm>>
      tpu.enqueue_dma source(%arg5 : memref<10240xf32, #tpu.memory_space<vmem>>) target(%dma_start3A_15 : memref<10240xf32, #tpu.memory_space<hbm>>) target_semaphore(%run_scoped3A : memref<!tpu.dma_semaphore, #tpu.memory_space<semaphore_mem>>)
      %dma_wait3A = arith.constant 0 : i32
      %dma_wait3A_16 = tpu.memref_slice %arg3[%add3A, %dma_wait3A] : memref<32x10240xf32, #tpu.memory_space<hbm>> -> memref<1x10240xf32, #tpu.memory_space<hbm>>
      %dma_wait3A_17 = tpu.memref_squeeze %dma_wait3A_16 : memref<1x10240xf32, #tpu.memory_space<hbm>> -> memref<10240xf32, #tpu.memory_space<hbm>>
      %dma_wait3A_18 = arith.constant 0 : i32
      %dma_wait3A_19 = tpu.memref_slice %arg3[%add3A, %dma_wait3A_18] : memref<32x10240xf32, #tpu.memory_space<hbm>> -> memref<1x10240xf32, #tpu.memory_space<hbm>>
      %dma_wait3A_20 = tpu.memref_squeeze %dma_wait3A_19 : memref<1x10240xf32, #tpu.memory_space<hbm>> -> memref<10240xf32, #tpu.memory_space<hbm>>
      tpu.wait_dma2 semaphore(%run_scoped3A : memref<!tpu.dma_semaphore, #tpu.memory_space<semaphore_mem>>) src(%arg5 : memref<10240xf32, #tpu.memory_space<vmem>>) dst(%dma_wait3A_20 : memref<10240xf32, #tpu.memory_space<hbm>>)
      tpu.yield
    }) : () -> ()
    return
  }
}

module attributes {stable_mosaic.version = 14 : i64} {
  func.func @_tc_dense1_body(%arg0: memref<10000x128xf32, #tpu.memory_space<vmem>>, %arg1: memref<10000x64xf32, #tpu.memory_space<vmem>>, %arg2: memref<128x128xf32, #tpu.memory_space<vmem>>, %arg3: memref<1x128xf32, #tpu.memory_space<vmem>>, %arg4: memref<128x64xf32, #tpu.memory_space<vmem>>, %arg5: memref<1x128xf32, #tpu.memory_space<vmem>>, %arg6: memref<1x128xf32, #tpu.memory_space<vmem>>, %arg7: memref<1x128xf32, #tpu.memory_space<vmem>>, %arg8: memref<1x128xf32, #tpu.memory_space<vmem>>, %arg9: memref<10000x128xf32, #tpu.memory_space<vmem>>, %arg10: memref<10000x1xf32, #tpu.memory_space<vmem>>) attributes {dimension_semantics = [], scalar_prefetch = 0 : i64, scratch_operands = 0 : i64, tpu.core_type = #tpu.core_type<tc>} {
    %get3A = arith.constant 0 : index
    %get3A_0 = arith.constant 0 : index
    %get3A_1 = vector.load %arg0[%get3A, %get3A_0] : memref<10000x128xf32, #tpu.memory_space<vmem>>, vector<10000x128xf32>
    %get3A_2 = arith.constant 0 : index
    %get3A_3 = arith.constant 0 : index
    %get3A_4 = vector.load %arg2[%get3A_2, %get3A_3] : memref<128x128xf32, #tpu.memory_space<vmem>>, vector<128x128xf32>
    %dot_general3A = arith.constant dense<0.000000e+00> : vector<10000x128xf32>
    %dot_general3A_5 = tpu.matmul %get3A_1, %get3A_4, %dot_general3A {dimension_numbers = #tpu.dot_dimension_numbers<[1], [1], [0], [0], [0, 0, 1, 0], [], []>, precision = #tpu.contract_precision<fp32>, transpose_lhs_hint = false} : vector<10000x128xf32>, vector<128x128xf32>, vector<10000x128xf32> -> vector<10000x128xf32>
    %get3A_6 = arith.constant 0 : index
    %get3A_7 = arith.constant 0 : index
    %get3A_8 = vector.load %arg3[%get3A_6, %get3A_7] : memref<1x128xf32, #tpu.memory_space<vmem>>, vector<1x128xf32>
    %add3A = vector.broadcast %get3A_8 : vector<1x128xf32> to vector<10000x128xf32>
    %add3A_9 = arith.addf %dot_general3A_5, %add3A : vector<10000x128xf32>
    %swap3A = arith.constant 0 : index
    %swap3A_10 = arith.constant 0 : index
    %swap3A_11 = vector.load %arg9[%swap3A, %swap3A_10] : memref<10000x128xf32, #tpu.memory_space<vmem>>, vector<10000x128xf32>
    tpu.vector_store %arg9[%swap3A, %swap3A_10], %add3A_9 {strides = array<i32>} : memref<10000x128xf32, #tpu.memory_space<vmem>>, vector<10000x128xf32>,
    %get3A_12 = arith.constant 0 : index
    %get3A_13 = arith.constant 0 : index
    %get3A_14 = vector.load %arg1[%get3A_12, %get3A_13] : memref<10000x64xf32, #tpu.memory_space<vmem>>, vector<10000x64xf32>
    %get3A_15 = arith.constant 0 : index
    %get3A_16 = arith.constant 0 : index
    %get3A_17 = vector.load %arg4[%get3A_15, %get3A_16] : memref<128x64xf32, #tpu.memory_space<vmem>>, vector<128x64xf32>
    %dot_general3A_18 = arith.constant dense<0.000000e+00> : vector<10000x128xf32>
    %dot_general3A_19 = tpu.matmul %get3A_14, %get3A_17, %dot_general3A_18 {dimension_numbers = #tpu.dot_dimension_numbers<[1], [1], [0], [0], [0, 0, 1, 0], [], []>, precision = #tpu.contract_precision<fp32>, transpose_lhs_hint = false} : vector<10000x64xf32>, vector<128x64xf32>, vector<10000x128xf32> -> vector<10000x128xf32>
    %get3A_20 = arith.constant 0 : index
    %get3A_21 = arith.constant 0 : index
    %get3A_22 = vector.load %arg5[%get3A_20, %get3A_21] : memref<1x128xf32, #tpu.memory_space<vmem>>, vector<1x128xf32>
    %add3A_23 = vector.broadcast %get3A_22 : vector<1x128xf32> to vector<10000x128xf32>
    %add3A_24 = arith.addf %dot_general3A_19, %add3A_23 : vector<10000x128xf32>
    %max3A = arith.constant 0.000000e+00 : f32
    %max3A_25 = vector.broadcast %max3A : f32 to vector<10000x128xf32>
    %max3A_26 = arith.maximumf %add3A_24, %max3A_25 : vector<10000x128xf32>
    %get3A_27 = arith.constant 0 : index
    %get3A_28 = arith.constant 0 : index
    %get3A_29 = vector.load %arg6[%get3A_27, %get3A_28] : memref<1x128xf32, #tpu.memory_space<vmem>>, vector<1x128xf32>
    %get3A_30 = arith.constant 0 : index
    %get3A_31 = arith.constant 0 : index
    %get3A_32 = vector.load %arg7[%get3A_30, %get3A_31] : memref<1x128xf32, #tpu.memory_space<vmem>>, vector<1x128xf32>
    %reduce_sum3A = arith.constant dense<0.000000e+00> : vector<128xf32>
    %reduce_sum3A_33 = vector.multi_reduction <add>, %max3A_26, %reduce_sum3A [0] : vector<10000x128xf32> to vector<128xf32>
    %broadcast_in_dim3A = vector.shape_cast %reduce_sum3A_33 : vector<128xf32> to vector<1x128xf32>
    %div3A = arith.constant 1.000000e+04 : f32
    %div3A_34 = vector.broadcast %div3A : f32 to vector<1x128xf32>
    %div3A_35 = arith.divf %broadcast_in_dim3A, %div3A_34 : vector<1x128xf32>
    %sub3A = vector.broadcast %div3A_35 : vector<1x128xf32> to vector<10000x128xf32>
    %sub3A_36 = arith.subf %max3A_26, %sub3A : vector<10000x128xf32>
    %integer_pow3A = arith.mulf %sub3A_36, %sub3A_36 : vector<10000x128xf32>
    %reduce_sum3A_37 = arith.constant dense<0.000000e+00> : vector<128xf32>
    %reduce_sum3A_38 = vector.multi_reduction <add>, %integer_pow3A, %reduce_sum3A_37 [0] : vector<10000x128xf32> to vector<128xf32>
    %broadcast_in_dim3A_39 = vector.shape_cast %reduce_sum3A_38 : vector<128xf32> to vector<1x128xf32>
    %div3A_40 = arith.constant 1.000000e+04 : f32
    %div3A_41 = vector.broadcast %div3A_40 : f32 to vector<1x128xf32>
    %div3A_42 = arith.divf %broadcast_in_dim3A_39, %div3A_41 : vector<1x128xf32>
    %sub3A_43 = vector.broadcast %div3A_35 : vector<1x128xf32> to vector<10000x128xf32>
    %sub3A_44 = arith.subf %max3A_26, %sub3A_43 : vector<10000x128xf32>
    %add3A_45 = arith.constant 9.99999974E-6 : f32
    %add3A_46 = vector.broadcast %add3A_45 : f32 to vector<1x128xf32>
    %add3A_47 = arith.addf %div3A_42, %add3A_46 : vector<1x128xf32>
    %rsqrt3A = math.rsqrt %add3A_47 : vector<1x128xf32>
    %mul3A = vector.broadcast %rsqrt3A : vector<1x128xf32> to vector<10000x128xf32>
    %mul3A_48 = arith.mulf %sub3A_44, %mul3A : vector<10000x128xf32>
    %mul3A_49 = vector.broadcast %get3A_29 : vector<1x128xf32> to vector<10000x128xf32>
    %mul3A_50 = arith.mulf %mul3A_48, %mul3A_49 : vector<10000x128xf32>
    %add3A_51 = vector.broadcast %get3A_32 : vector<1x128xf32> to vector<10000x128xf32>
    %add3A_52 = arith.addf %mul3A_50, %add3A_51 : vector<10000x128xf32>
    %get3A_53 = arith.constant 0 : index
    %get3A_54 = arith.constant 0 : index
    %get3A_55 = vector.load %arg8[%get3A_53, %get3A_54] : memref<1x128xf32, #tpu.memory_space<vmem>>, vector<1x128xf32>
    %mul3A_56 = vector.broadcast %get3A_55 : vector<1x128xf32> to vector<10000x128xf32>
    %mul3A_57 = arith.mulf %add3A_52, %mul3A_56 : vector<10000x128xf32>
    %reduce_sum3A_58 = arith.constant dense<0.000000e+00> : vector<10000xf32>
    %reduce_sum3A_59 = vector.multi_reduction <add>, %mul3A_57, %reduce_sum3A_58 [1] : vector<10000x128xf32> to vector<10000xf32>
    %broadcast_in_dim3A_60 = vector.shape_cast %reduce_sum3A_59 : vector<10000xf32> to vector<10000x1xf32>
    %swap3A_61 = arith.constant 0 : index
    %swap3A_62 = arith.constant 0 : index
    %swap3A_63 = vector.load %arg10[%swap3A_61, %swap3A_62] : memref<10000x1xf32, #tpu.memory_space<vmem>>, vector<10000x1xf32>
    tpu.vector_store %arg10[%swap3A_61, %swap3A_62], %broadcast_in_dim3A_60 {strides = array<i32>} : memref<10000x1xf32, #tpu.memory_space<vmem>>, vector<10000x1xf32>,
    return
  }
}

module attributes {stable_mosaic.version = 14 : i64} {
  func.func @_tc_scale_body(%arg0: memref<10000x128xf32, #tpu.memory_space<vmem>>, %arg1: memref<32x10240xf32, #tpu.memory_space<vmem>>, %arg2: memref<10000x128xf32, #tpu.memory_space<vmem>>, %arg3: memref<10000x1xf32, #tpu.memory_space<vmem>>) attributes {dimension_semantics = [], scalar_prefetch = 0 : i64, scratch_operands = 0 : i64, tpu.core_type = #tpu.core_type<tc>} {
    %get3A = arith.constant 0 : index
    %get3A_0 = arith.constant 0 : index
    %get3A_1 = vector.load %arg1[%get3A, %get3A_0] : memref<32x10240xf32, #tpu.memory_space<vmem>>, vector<32x10000xf32>
    %reduce_sum3A = arith.constant dense<0.000000e+00> : vector<10000xf32>
    %reduce_sum3A_2 = vector.multi_reduction <add>, %get3A_1, %reduce_sum3A [0] : vector<32x10000xf32> to vector<10000xf32>
    %broadcast_in_dim3A = vector.shape_cast %reduce_sum3A_2 : vector<10000xf32> to vector<10000x1xf32>
    %add3A = arith.constant 1.000000e+00 : f32
    %add3A_3 = vector.broadcast %add3A : f32 to vector<10000x1xf32>
    %add3A_4 = arith.addf %broadcast_in_dim3A, %add3A_3 : vector<10000x1xf32>
    %rsqrt3A = math.rsqrt %add3A_4 : vector<10000x1xf32>
    %swap3A = arith.constant 0 : index
    %swap3A_5 = arith.constant 0 : index
    %swap3A_6 = vector.load %arg3[%swap3A, %swap3A_5] : memref<10000x1xf32, #tpu.memory_space<vmem>>, vector<10000x1xf32>
    tpu.vector_store %arg3[%swap3A, %swap3A_5], %rsqrt3A {strides = array<i32>} : memref<10000x1xf32, #tpu.memory_space<vmem>>, vector<10000x1xf32>,
    %get3A_7 = arith.constant 0 : index
    %get3A_8 = arith.constant 0 : index
    %get3A_9 = vector.load %arg0[%get3A_7, %get3A_8] : memref<10000x128xf32, #tpu.memory_space<vmem>>, vector<10000x128xf32>
    %mul3A = vector.broadcast %rsqrt3A : vector<10000x1xf32> to vector<10000x128xf32>
    %mul3A_10 = arith.mulf %get3A_9, %mul3A : vector<10000x128xf32>
    %swap3A_11 = arith.constant 0 : index
    %swap3A_12 = arith.constant 0 : index
    %swap3A_13 = vector.load %arg2[%swap3A_11, %swap3A_12] : memref<10000x128xf32, #tpu.memory_space<vmem>>, vector<10000x128xf32>
    tpu.vector_store %arg2[%swap3A_11, %swap3A_12], %mul3A_10 {strides = array<i32>} : memref<10000x128xf32, #tpu.memory_space<vmem>>, vector<10000x128xf32>,
    return
  }
}

module attributes {stable_mosaic.version = 14 : i64} {
  func.func @_tc_final_body(%arg0: memref<2x10240x128xf32, #tpu.memory_space<vmem>>, %arg1: memref<10000x128xf32, #tpu.memory_space<vmem>>, %arg2: memref<10000x1xf32, #tpu.memory_space<vmem>>, %arg3: memref<10000x1xf32, #tpu.memory_space<vmem>>, %arg4: memref<1x10000xi32, #tpu.memory_space<vmem>>, %arg5: memref<128x128xf32, #tpu.memory_space<vmem>>, %arg6: memref<1x128xf32, #tpu.memory_space<vmem>>, %arg7: memref<1x128xf32, #tpu.memory_space<vmem>>, %arg8: memref<1x128xf32, #tpu.memory_space<vmem>>, %arg9: memref<1x128xf32, #tpu.memory_space<vmem>>, %arg10: memref<1x128xf32, #tpu.memory_space<vmem>>, %arg11: memref<1x128xf32, #tpu.memory_space<vmem>>, %arg12: memref<1x1xf32, #tpu.memory_space<vmem>>, %arg13: memref<128x1xf32, #tpu.memory_space<vmem>>) attributes {dimension_semantics = [], scalar_prefetch = 0 : i64, scratch_operands = 0 : i64, tpu.core_type = #tpu.core_type<tc>} {
    %get3A = arith.constant 0 : index
    %get3A_0 = arith.constant 0 : index
    %get3A_1 = arith.constant 0 : index
    %get3A_2 = vector.load %arg0[%get3A, %get3A_0, %get3A_1] : memref<2x10240x128xf32, #tpu.memory_space<vmem>>, vector<1x10000x128xf32>
    %get3A_3 = vector.shape_cast %get3A_2 : vector<1x10000x128xf32> to vector<10000x128xf32>
    %get3A_4 = arith.constant 1 : index
    %get3A_5 = arith.constant 0 : index
    %get3A_6 = arith.constant 0 : index
    %get3A_7 = vector.load %arg0[%get3A_4, %get3A_5, %get3A_6] : memref<2x10240x128xf32, #tpu.memory_space<vmem>>, vector<1x10000x128xf32>
    %get3A_8 = vector.shape_cast %get3A_7 : vector<1x10000x128xf32> to vector<10000x128xf32>
    %add3A = arith.addf %get3A_3, %get3A_8 : vector<10000x128xf32>
    %get3A_9 = arith.constant 0 : index
    %get3A_10 = arith.constant 0 : index
    %get3A_11 = vector.load %arg1[%get3A_9, %get3A_10] : memref<10000x128xf32, #tpu.memory_space<vmem>>, vector<10000x128xf32>
    %add3A_12 = arith.addf %add3A, %get3A_11 : vector<10000x128xf32>
    %get3A_13 = arith.constant 0 : index
    %get3A_14 = arith.constant 0 : index
    %get3A_15 = vector.load %arg2[%get3A_13, %get3A_14] : memref<10000x1xf32, #tpu.memory_space<vmem>>, vector<10000x1xf32>
    %mul3A = vector.broadcast %get3A_15 : vector<10000x1xf32> to vector<10000x128xf32>
    %mul3A_16 = arith.mulf %add3A_12, %mul3A : vector<10000x128xf32>
    %max3A = arith.constant 0.000000e+00 : f32
    %max3A_17 = vector.broadcast %max3A : f32 to vector<10000x128xf32>
    %max3A_18 = arith.maximumf %mul3A_16, %max3A_17 : vector<10000x128xf32>
    %get3A_19 = arith.constant 0 : index
    %get3A_20 = arith.constant 0 : index
    %get3A_21 = vector.load %arg7[%get3A_19, %get3A_20] : memref<1x128xf32, #tpu.memory_space<vmem>>, vector<1x128xf32>
    %get3A_22 = arith.constant 0 : index
    %get3A_23 = arith.constant 0 : index
    %get3A_24 = vector.load %arg8[%get3A_22, %get3A_23] : memref<1x128xf32, #tpu.memory_space<vmem>>, vector<1x128xf32>
    %reduce_sum3A = arith.constant dense<0.000000e+00> : vector<128xf32>
    %reduce_sum3A_25 = vector.multi_reduction <add>, %max3A_18, %reduce_sum3A [0] : vector<10000x128xf32> to vector<128xf32>
    %broadcast_in_dim3A = vector.shape_cast %reduce_sum3A_25 : vector<128xf32> to vector<1x128xf32>
    %div3A = arith.constant 1.000000e+04 : f32
    %div3A_26 = vector.broadcast %div3A : f32 to vector<1x128xf32>
    %div3A_27 = arith.divf %broadcast_in_dim3A, %div3A_26 : vector<1x128xf32>
    %sub3A = vector.broadcast %div3A_27 : vector<1x128xf32> to vector<10000x128xf32>
    %sub3A_28 = arith.subf %max3A_18, %sub3A : vector<10000x128xf32>
    %integer_pow3A = arith.mulf %sub3A_28, %sub3A_28 : vector<10000x128xf32>
    %reduce_sum3A_29 = arith.constant dense<0.000000e+00> : vector<128xf32>
    %reduce_sum3A_30 = vector.multi_reduction <add>, %integer_pow3A, %reduce_sum3A_29 [0] : vector<10000x128xf32> to vector<128xf32>
    %broadcast_in_dim3A_31 = vector.shape_cast %reduce_sum3A_30 : vector<128xf32> to vector<1x128xf32>
    %div3A_32 = arith.constant 1.000000e+04 : f32
    %div3A_33 = vector.broadcast %div3A_32 : f32 to vector<1x128xf32>
    %div3A_34 = arith.divf %broadcast_in_dim3A_31, %div3A_33 : vector<1x128xf32>
    %sub3A_35 = vector.broadcast %div3A_27 : vector<1x128xf32> to vector<10000x128xf32>
    %sub3A_36 = arith.subf %max3A_18, %sub3A_35 : vector<10000x128xf32>
    %add3A_37 = arith.constant 9.99999974E-6 : f32
    %add3A_38 = vector.broadcast %add3A_37 : f32 to vector<1x128xf32>
    %add3A_39 = arith.addf %div3A_34, %add3A_38 : vector<1x128xf32>
    %rsqrt3A = math.rsqrt %add3A_39 : vector<1x128xf32>
    %mul3A_40 = vector.broadcast %rsqrt3A : vector<1x128xf32> to vector<10000x128xf32>
    %mul3A_41 = arith.mulf %sub3A_36, %mul3A_40 : vector<10000x128xf32>
    %mul3A_42 = vector.broadcast %get3A_21 : vector<1x128xf32> to vector<10000x128xf32>
    %mul3A_43 = arith.mulf %mul3A_41, %mul3A_42 : vector<10000x128xf32>
    %add3A_44 = vector.broadcast %get3A_24 : vector<1x128xf32> to vector<10000x128xf32>
    %add3A_45 = arith.addf %mul3A_43, %add3A_44 : vector<10000x128xf32>
    %get3A_46 = arith.constant 0 : index
    %get3A_47 = arith.constant 0 : index
    %get3A_48 = vector.load %arg5[%get3A_46, %get3A_47] : memref<128x128xf32, #tpu.memory_space<vmem>>, vector<128x128xf32>
    %dot_general3A = arith.constant dense<0.000000e+00> : vector<10000x128xf32>
    %dot_general3A_49 = tpu.matmul %add3A_45, %get3A_48, %dot_general3A {dimension_numbers = #tpu.dot_dimension_numbers<[1], [1], [0], [0], [0, 0, 1, 0], [], []>, precision = #tpu.contract_precision<fp32>, transpose_lhs_hint = false} : vector<10000x128xf32>, vector<128x128xf32>, vector<10000x128xf32> -> vector<10000x128xf32>
    %get3A_50 = arith.constant 0 : index
    %get3A_51 = arith.constant 0 : index
    %get3A_52 = vector.load %arg6[%get3A_50, %get3A_51] : memref<1x128xf32, #tpu.memory_space<vmem>>, vector<1x128xf32>
    %add3A_53 = vector.broadcast %get3A_52 : vector<1x128xf32> to vector<10000x128xf32>
    %add3A_54 = arith.addf %dot_general3A_49, %add3A_53 : vector<10000x128xf32>
    %max3A_55 = arith.constant 0.000000e+00 : f32
    %max3A_56 = vector.broadcast %max3A_55 : f32 to vector<10000x128xf32>
    %max3A_57 = arith.maximumf %add3A_54, %max3A_56 : vector<10000x128xf32>
    %get3A_58 = arith.constant 0 : index
    %get3A_59 = arith.constant 0 : index
    %get3A_60 = vector.load %arg9[%get3A_58, %get3A_59] : memref<1x128xf32, #tpu.memory_space<vmem>>, vector<1x128xf32>
    %get3A_61 = arith.constant 0 : index
    %get3A_62 = arith.constant 0 : index
    %get3A_63 = vector.load %arg10[%get3A_61, %get3A_62] : memref<1x128xf32, #tpu.memory_space<vmem>>, vector<1x128xf32>
    %reduce_sum3A_64 = arith.constant dense<0.000000e+00> : vector<128xf32>
    %reduce_sum3A_65 = vector.multi_reduction <add>, %max3A_57, %reduce_sum3A_64 [0] : vector<10000x128xf32> to vector<128xf32>
    %broadcast_in_dim3A_66 = vector.shape_cast %reduce_sum3A_65 : vector<128xf32> to vector<1x128xf32>
    %div3A_67 = arith.constant 1.000000e+04 : f32
    %div3A_68 = vector.broadcast %div3A_67 : f32 to vector<1x128xf32>
    %div3A_69 = arith.divf %broadcast_in_dim3A_66, %div3A_68 : vector<1x128xf32>
    %sub3A_70 = vector.broadcast %div3A_69 : vector<1x128xf32> to vector<10000x128xf32>
    %sub3A_71 = arith.subf %max3A_57, %sub3A_70 : vector<10000x128xf32>
    %integer_pow3A_72 = arith.mulf %sub3A_71, %sub3A_71 : vector<10000x128xf32>
    %reduce_sum3A_73 = arith.constant dense<0.000000e+00> : vector<128xf32>
    %reduce_sum3A_74 = vector.multi_reduction <add>, %integer_pow3A_72, %reduce_sum3A_73 [0] : vector<10000x128xf32> to vector<128xf32>
    %broadcast_in_dim3A_75 = vector.shape_cast %reduce_sum3A_74 : vector<128xf32> to vector<1x128xf32>
    %div3A_76 = arith.constant 1.000000e+04 : f32
    %div3A_77 = vector.broadcast %div3A_76 : f32 to vector<1x128xf32>
    %div3A_78 = arith.divf %broadcast_in_dim3A_75, %div3A_77 : vector<1x128xf32>
    %sub3A_79 = vector.broadcast %div3A_69 : vector<1x128xf32> to vector<10000x128xf32>
    %sub3A_80 = arith.subf %max3A_57, %sub3A_79 : vector<10000x128xf32>
    %add3A_81 = arith.constant 9.99999974E-6 : f32
    %add3A_82 = vector.broadcast %add3A_81 : f32 to vector<1x128xf32>
    %add3A_83 = arith.addf %div3A_78, %add3A_82 : vector<1x128xf32>
    %rsqrt3A_84 = math.rsqrt %add3A_83 : vector<1x128xf32>
    %mul3A_85 = vector.broadcast %rsqrt3A_84 : vector<1x128xf32> to vector<10000x128xf32>
    %mul3A_86 = arith.mulf %sub3A_80, %mul3A_85 : vector<10000x128xf32>
    %mul3A_87 = vector.broadcast %get3A_60 : vector<1x128xf32> to vector<10000x128xf32>
    %mul3A_88 = arith.mulf %mul3A_86, %mul3A_87 : vector<10000x128xf32>
    %add3A_89 = vector.broadcast %get3A_63 : vector<1x128xf32> to vector<10000x128xf32>
    %add3A_90 = arith.addf %mul3A_88, %add3A_89 : vector<10000x128xf32>
    %get3A_91 = arith.constant 0 : index
    %get3A_92 = arith.constant 0 : index
    %get3A_93 = vector.load %arg11[%get3A_91, %get3A_92] : memref<1x128xf32, #tpu.memory_space<vmem>>, vector<1x128xf32>
    %mul3A_94 = vector.broadcast %get3A_93 : vector<1x128xf32> to vector<10000x128xf32>
    %mul3A_95 = arith.mulf %add3A_90, %mul3A_94 : vector<10000x128xf32>
    %reduce_sum3A_96 = arith.constant dense<0.000000e+00> : vector<10000xf32>
    %reduce_sum3A_97 = vector.multi_reduction <add>, %mul3A_95, %reduce_sum3A_96 [1] : vector<10000x128xf32> to vector<10000xf32>
    %broadcast_in_dim3A_98 = vector.shape_cast %reduce_sum3A_97 : vector<10000xf32> to vector<10000x1xf32>
    %get3A_99 = arith.constant 0 : index
    %get3A_100 = arith.constant 0 : index
    %get3A_101 = vector.load %arg3[%get3A_99, %get3A_100] : memref<10000x1xf32, #tpu.memory_space<vmem>>, vector<10000x1xf32>
    %add3A_102 = arith.addf %broadcast_in_dim3A_98, %get3A_101 : vector<10000x1xf32>
    %broadcast_in_dim3A_103 = arith.constant 1.000000e+00 : f32
    %broadcast_in_dim3A_104 = vector.broadcast %broadcast_in_dim3A_103 : f32 to vector<10000x1xf32>
    %concatenate3A = tpu.concatenate %add3A_102, %broadcast_in_dim3A_104 in 1 : vector<10000x1xf32>, vector<10000x1xf32> -> vector<10000x2xf32>
    %iota3A = tpu.iota {dimensions = array<i32: 0>} : vector<128x10000xi32>
    %get3A_105 = arith.constant 0 : index
    %get3A_106 = arith.constant 0 : index
    %get3A_107 = vector.load %arg4[%get3A_105, %get3A_106] : memref<1x10000xi32, #tpu.memory_space<vmem>>, vector<1x10000xi32>
    %eq3A = vector.broadcast %get3A_107 : vector<1x10000xi32> to vector<128x10000xi32>
    %eq3A_108 = arith.cmpi eq, %eq3A, %iota3A : vector<128x10000xi32>
    %convert_element_type3A = arith.extui %eq3A_108 : vector<128x10000xi1> to vector<128x10000xi32>
    %convert_element_type3A_109 = arith.sitofp %convert_element_type3A : vector<128x10000xi32> to vector<128x10000xf32>
    %dot_general3A_110 = arith.constant dense<0.000000e+00> : vector<128x2xf32>
    %dot_general3A_111 = tpu.matmul %convert_element_type3A_109, %concatenate3A, %dot_general3A_110 {dimension_numbers = #tpu.dot_dimension_numbers<[1], [0], [0], [1], [0, 0, 1, 1], [], []>, precision = #tpu.contract_precision<fp32>, transpose_lhs_hint = false} : vector<128x10000xf32>, vector<10000x2xf32>, vector<128x2xf32> -> vector<128x2xf32>
    %slice3A = vector.extract_strided_slice %dot_general3A_111 {offsets = [0, 0], sizes = [128, 1], strides = [1, 1]} : vector<128x2xf32> to vector<128x1xf32>
    %slice3A_112 = vector.extract_strided_slice %dot_general3A_111 {offsets = [0, 1], sizes = [128, 1], strides = [1, 1]} : vector<128x2xf32> to vector<128x1xf32>
    %max3A_113 = arith.constant 1.000000e+00 : f32
    %max3A_114 = vector.broadcast %max3A_113 : f32 to vector<128x1xf32>
    %max3A_115 = arith.maximumf %slice3A_112, %max3A_114 : vector<128x1xf32>
    %div3A_116 = arith.divf %slice3A, %max3A_115 : vector<128x1xf32>
    %get3A_117 = arith.constant 0 : index
    %get3A_118 = arith.constant 0 : index
    %get3A_119 = vector.load %arg12[%get3A_117, %get3A_118] : memref<1x1xf32, #tpu.memory_space<vmem>>, vector<1x1xf32>
    %add3A_120 = vector.broadcast %get3A_119 : vector<1x1xf32> to vector<128x1xf32>
    %add3A_121 = arith.addf %div3A_116, %add3A_120 : vector<128x1xf32>
    %swap3A = arith.constant 0 : index
    %swap3A_122 = arith.constant 0 : index
    %swap3A_123 = vector.load %arg13[%swap3A, %swap3A_122] : memref<128x1xf32, #tpu.memory_space<vmem>>, vector<128x1xf32>
    tpu.vector_store %arg13[%swap3A, %swap3A_122], %add3A_121 {strides = array<i32>} : memref<128x1xf32, #tpu.memory_space<vmem>>, vector<128x1xf32>,
    return
  }
}

</mosaic_0001>

<sc_bundles>
// kernel: kernel.10.cloned.1.call-start
scs
__scs_entry_jumppad:
0x0: {  	(pc) =	sbr.rel $0x88, $3  }
0x1: {  	(tag) =	ssettag $0x0;
	lr =	simm.s32 $0x1  }
0x2: {  	[smem:$0x3F8F] =	sst lr;
	_ =	strace $0xD0000000  }
0x3: {  	_ = 	snop  }
0x4: {  	_ = 	snop  }
0x5: {  	_ = 	snop  }
0x6: {  	_ = 	snop  }
0x7: {  	_ = 	snop  }
__scs_overlays_trampoline_lowered:
0x8: {  	[smem:$0x3F9E] =	sst s0  }
0x9: {  	[smem:$0x3F9F] =	sst s1  }
0xa: {  	[smem:$0x3FA0] =	sst s2  }
0xb: {  	[smem:$0x3FA1] =	sst s3  }
0xc: {  	[smem:$0x3FA2] =	sst s4  }
0xd: {  	[smem:$0x3FA3] =	sst s5  }
0xe: {  	[smem:$0x3FA4] =	sst s6  }
0xf: {  	[smem:$0x3FA5] =	sst s7  }
0x10: {  	[smem:$0x3FA6] =	sst s8  }
0x11: {  	[smem:$0x3FA7] =	sst s9;
	s0 =	simm.s32 @!p0 $0x0  }
0x12: {  	s1 =	sld [smem:$0x3F8D];
	s0 =	simm.s32 @p0 $0x1  }
0x13: {  	[smem:$0x3FA8] =	sst s0;
	s0 =	simm.s32 @!p1 $0x0  }
0x14: {  	s2 =	sld [smem:$0x3F8C];
	s0 =	simm.s32 @p1 $0x1  }
0x15: {  	[smem:$0x3FA9] =	sst s0;
	s0 =	simm.s32 @!p2 $0x0  }
0x16: {  	s3 =	sld [smem:$0x3FDB];
	s0 =	simm.s32 @p2 $0x1  }
0x17: {  	s4 =	simm.s32 $0x1BF5;
	[smem:$0x3FAB] =	sst s0  }
0x18: {  	s0 =	sld [smem:$0x3F8E];
	_ =	swait.ge [sflag:s4], $0x0  }
0x19: {  	s7 =	sld [smem:$0x3F8F]  }
0x1a: {  	s8 =	sadd.s32 $0xFFFFE003, lr  }
0x1b: {  	s9 =	sadd.s32 $0xFFFFFEF7, lr;
	s5 =	simm.s32 $0xFFFFFFFF;
	p2 =	slt.u32 s8, $0xFFFFF086  }
0x1c: {  	p1 =	slt.u32 s9, $0xF7A;
	s5 =	simm.s32 @!p2 $0x0  }
0x1d: {  	s5 =	simm.s32 @p1 $0x1;
	p0 =	seq.s32 s7, s2  }
0x1e: {  	s7 =	smul.u32 @!p0 $0xF7A, s2;
	p2 =	seq.s32 @!p0 s5, $0x0  }
0x1f: {  	s9 =	smul.u32 $0xF7A, s1;
	s8 =	simm.s32 @!p0 $0x1BF5;
	p2 =	por !p2, p0  }
0x20: {  	[sflag:s8] =	ssyncset.s32 @!p0 $0xFFFFF086;
	s6 =	sadd.s32 @!p0 s3, s7;
	s7 =	simm.s32 @!p0 $0x108  }
0x21: {  	s3 =	sadd.s32 s3, s9;
	s6 =	sadd.s32 @!p0 $0x88, s6;
	s7 =	simm.s32 @p2 $0x1082  }
0x22: {  	[simem:s7], [sflag:s8] =	dma.local @!p0 [hbm:s6], $0xF7A  }
0x23: {  	s9 =	sor.u32 $0xD0000000, s2;
	s6 =	simm.s32 $0x108;
	_ =	swait.ge @!p0 [sflag:s8], $0x0  }
0x24: {  	s3 =	sadd.s32 $0x88, s3;
	s6 =	simm.s32 @!p1 $0x1082;
	[sflag:s4] =	ssyncset.s32 $0xFFFFF086  }
0x25: {  	[simem:s6], [sflag:s4] =	dma.local [hbm:s3], $0xF7A  }
0x26: {  	[smem:$0x3F8F] =	sst s1;
	(tag) =	ssettag s2;
	_ =	strace s9  }
0x27: {  	s1 =	sld [smem:$0x3F9F]  }
0x28: {  	s2 =	sld [smem:$0x3FA0]  }
0x29: {  	s4 =	sld [smem:$0x3FA2]  }
0x2a: {  	p0 =	seq.s32 s5, $0x0;
	s5 =	sld [smem:$0x3FA3]  }
0x2b: {  	s6 =	sld [smem:$0x3FA4]  }
0x2c: {  	s7 =	sld [smem:$0x3FA5]  }
0x2d: {  	s3 =	simm.s32 $0x108;
	s8 =	sld [smem:$0x3FA6]  }
0x2e: {  	s3 =	simm.s32 @!p0 $0x1082;
	s9 =	sld [smem:$0x3FA7]  }
0x2f: {  	lr =	sadd.s32 s0, s3;
	s0 =	sld [smem:$0x3F9E]  }
0x30: {  	s3 =	sld [smem:$0x3FA1]  }
0x31: {  	[smem:$0x3FAA] =	sst s10  }
0x32: {  	s10 =	sld [smem:$0x3FA8];
	_ =	sdelay $0x3  }
0x33: {  	p0 =	seq.s32 s10, $0x1;
	s10 =	sld [smem:$0x3FAA];
	_ =	sdelay $0x3  }
0x34: {  	[smem:$0x3FAA] =	sst s10  }
0x35: {  	s10 =	sld [smem:$0x3FA9];
	_ =	sdelay $0x3  }
0x36: {  	p1 =	seq.s32 s10, $0x1;
	s10 =	sld [smem:$0x3FAA];
	_ =	sdelay $0x3  }
0x37: {  	[smem:$0x3FAA] =	sst s10  }
0x38: {  	s10 =	sld [smem:$0x3FAB]  }
0x39: {  	_ = 	snop;
	(pc) =	sbr.ind lr, $3  }
0x3a: {  	_ = 	snop  }
0x3b: {  	_ = 	snop  }
0x3c: {  	p2 =	seq.s32 s10, $0x1;
	s10 =	sld [smem:$0x3FAA]  }
0x3d: {  	_ =	shalt  }
0x3e: {  	_ =	shalt  }
0x3f: {  	_ =	shalt  }
0x40: {  	_ =	shalt  }
0x41: {  	_ =	shalt  }
0x42: {  	_ =	shalt  }
0x43: {  	_ =	shalt  }
0x44: {  	_ =	shalt  }
0x45: {  	_ =	shalt  }
0x46: {  	_ =	shalt  }
0x47: {  	_ =	shalt  }
0x48: {  	_ =	shalt  }
0x49: {  	_ =	shalt  }
0x4a: {  	_ =	shalt  }
0x4b: {  	_ =	shalt  }
0x4c: {  	_ =	shalt  }
0x4d: {  	_ =	shalt  }
0x4e: {  	_ =	shalt  }
0x4f: {  	_ =	shalt  }
0x50: {  	_ =	shalt  }
0x51: {  	_ =	shalt  }
0x52: {  	_ =	shalt  }
0x53: {  	_ =	shalt  }
0x54: {  	_ =	shalt  }
0x55: {  	_ =	shalt  }
0x56: {  	_ =	shalt  }
0x57: {  	_ =	shalt  }
0x58: {  	_ =	shalt  }
0x59: {  	_ =	shalt  }
0x5a: {  	_ =	shalt  }
0x5b: {  	_ =	shalt  }
0x5c: {  	_ =	shalt  }
0x5d: {  	_ =	shalt  }
0x5e: {  	_ =	shalt  }
0x5f: {  	_ =	shalt  }
0x60: {  	_ =	shalt  }
0x61: {  	_ =	shalt  }
0x62: {  	_ =	shalt  }
0x63: {  	_ =	shalt  }
0x64: {  	_ =	shalt  }
0x65: {  	_ =	shalt  }
0x66: {  	_ =	shalt  }
0x67: {  	_ =	shalt  }
0x68: {  	_ =	shalt  }
0x69: {  	_ =	shalt  }
0x6a: {  	_ =	shalt  }
0x6b: {  	_ =	shalt  }
0x6c: {  	_ =	shalt  }
0x6d: {  	_ =	shalt  }
0x6e: {  	_ =	shalt  }
0x6f: {  	_ =	shalt  }
0x70: {  	_ =	shalt  }
0x71: {  	_ =	shalt  }
0x72: {  	_ =	shalt  }
0x73: {  	_ =	shalt  }
0x74: {  	_ =	shalt  }
0x75: {  	_ =	shalt  }
0x76: {  	_ =	shalt  }
0x77: {  	_ =	shalt  }
0x78: {  	_ =	shalt  }
0x79: {  	_ =	shalt  }
0x7a: {  	_ =	shalt  }
0x7b: {  	_ =	shalt  }
0x7c: {  	_ =	shalt  }
0x7d: {  	_ =	shalt  }
0x7e: {  	_ =	shalt  }
0x7f: {  	_ =	shalt  }
0x80: {  	_ =	shalt  }
0x81: {  	_ =	shalt  }
0x82: {  	_ =	shalt  }
0x83: {  	_ =	shalt  }
0x84: {  	_ =	shalt  }
0x85: {  	_ =	shalt  }
0x86: {  	_ =	shalt  }
0x87: {  	_ =	shalt  }
.Lfunc_end0:
.L_simem_size_0:
called_computation.1_lowered:
.L_overlay_start_0:
0x88: {  	s2 =	sld [smem:$0x3FD9]  }
0x89: {  	s3 =	sld [smem:$0x3FFE];
	_ =	sdelay $0x1  }
0x8a: {  	s1 =	srdreg.scid  }
0x8b: {  	s0 =	sand.u32 $0x1, s1  }
0x8c: {  	s16 =	sshll.u32 s0, $0xA;
	s2 =	sadd.s32 s3, s2  }
0x8d: {  	s2 =	sadd.s32 s2, s16  }
0x8e: {  	[smem:$0x3FB6] =	sst s2  }
0x8f: {  	_ = 	snop  }
0x90: {  	(tm) =	ssettm $0x1  }
0x91: {  	s17 =	sld [smem:$0x3FFB];
	_ =	sdelay $0x3  }
0x92: {  	_ =	strace s17  }
0x93: {  	s2 =	sld [smem:$0x3FFC];
	_ =	sdelay $0x3  }
0x94: {  	_ =	strace s2  }
0x95: {  	s2 =	sld [smem:$0x3FFD];
	_ =	sdelay $0x3  }
0x96: {  	_ =	strace s2  }
0x97: {  	_ =	strace $0x8FFFFFFF  }
0x98: {  	s18 =	sld [smem:$0x3FDB];
	_ =	sdelay $0x1  }
0x99: {  	s19 =	simm.s32 $_scs_section_size  }
0x9a: {  	s4 =	simm.s32 $_size__tile_overlayer_lowered;
	s5 =	simm.s32 $_tile_overlayer_lowered  }
0x9b: {  	s22 =	simm.s32 $0x1BFF;
	s21 =	sshll.u32 s5, $0x1;
	s2 =	sadd.s32 s19, s18  }
0x9c: {  	s6 =	simm.s32 $0x0;
	s20 =	sshll.u32 s4, $0x1;
	s4 =	sadd.s32 s21, s2  }
0x9d: {  	[timem:s6], [sflag:s22] =	dma.local [hbm:s4], s20  }
0x9e: {  	_ =	swait.ge [sflag:s22], s20  }
0x9f: {  	s3 =	ssub.s32 $0x0, s20;
	[sflag:s22] =	ssyncset.done $0x0  }
0xa0: {  	[sflag:s22] =	ssyncadd.s32 s3;
	_ =	sdelay $0x1  }
0xa1: {  	s23 =	simm.s32 $0x1B8B  }
0xa2: {  	_ =	swait.ge [sflag:s23], $0x1  }
0xa3: {  	[sflag:s23] =	ssyncset.done $0x0  }
0xa4: {  	s25 =	simm.s32 $0x1B8E;
	s24 =	sld [smem:$0x3FFE];
	[sflag:s23] =	ssyncadd.s32 $0xFFFFFFFF  }
0xa5: {  	s26 =	simm.s32 $execute0_lowered;
	[smem:$0x3FD2] =	sst s25  }
0xa6: {  	s4 =	sshll.u32 s26, $0x1;
	_ =	strace $0x80000049;
	[dreg:$0x1] =	wrdreg $0xFFFFFFFF  }
0xa7: {  	s28 =	simm.s32 $_size_execute0_lowered;
	s2 =	sadd.s32 s2, s4;
	[dreg:$0x0] =	wrdreg $0x0  }
0xa8: {  	s4 =	sshll.u32 s28, $0x1;
	[dreg:$0x2] =	wrdreg s2  }
0xa9: {  	[dreg:$0x3] =	wrdreg s4  }
0xaa: {  	[dreg:$0x4] =	wrdreg $0xC0  }
0xab: {  	_ =	task [dreg:s6], $0x5FFFF  }
0xac: {  	[dreg:$0x1] =	wrdreg $0xFFFFFFFF  }
0xad: {  	[dreg:$0x0] =	wrdreg $0x60  }
0xae: {  	[dreg:$0x2] =	wrdreg s24  }
0xaf: {  	[dreg:$0x3] =	wrdreg $0x90000  }
0xb0: {  	[dreg:$0x4] =	wrdreg $0x9  }
0xb1: {  	_ =	task.clear_ibuf [dreg:s6], $0x5FFFF;
	_ =	strace $0x90000049  }
0xb2: {  	s29 =	simm.s32 $0x9;
	_ =	strace $0x8000004B  }
0xb3: {  	_ =	swait.ge [sflag:s29], $0x1  }
0xb4: {  	[sflag:s29] =	ssyncadd.s32 $0xFFFFFFFF  }
0xb5: {  	_ =	strace $0x9000004B  }
0xb6: {  	_ =	sfence  }
0xb7: {  	s30 =	sld [smem:$0x0];
	_ =	sdelay $0x2  }
0xb8: {  	s31 =	sshll.u32 s1, $0xD;
	s1 =	sshrl.u32 s1, $0x2  }
0xb9: {  	s3 =	sand.u32 $0x4000, s31;
	s1 =	sadd.s32 s1, s30  }
0xba: {  	s0 =	sor.u32 s3, s0;
	s1 =	sshll.u32 s1, $0x11  }
0xbb: {  	s0 =	sor.u32 s1, s0  }
0xbc: {  	s0 =	sadd.s32 $0x8F2B, s0  }
0xbd: {  	[sflag:s0] =	ssyncadd.remote.s32 $0x1  }
0xbe: {  	_ =	sfence.sel $0xFFFF  }
0xbf: {  	[dreg:$0x0] =	wrdreg $0xFFFFFFFF;
	(pc) =	sbr.abs _section_cstart, $3  }
0xc0: {  	[dreg:$0x1] =	wrdreg $0xFFFFFFFF  }
0xc1: {  	_ =	task.clear_ibuf [dreg:s6], $0x2FFFF;
	_ =	strace $0x9FFFFFFF  }
0xc2: {  	(tm) =	ssettm $0x7FFFFFFF  }
0xc3: {  	_ =	shalt  }
tec
execute0_lowered:
.L_overlay_start_1:
0x0: {  	(tag) =	ssettag $0x1  }
0x1: {  	s0 =	rddreg [dreg:$0x0];
	s2 =	srdreg.scid  }
0x2: {  	s1 =	rddreg [dreg:$0x1];
	s3 =	simm.s32 $0x0;
	s10 =	stileid.u32  }
0x3: {  	s12 =	simm.s32 $0x100;
	s14 =	simm.s32 $0x880;
	s15 =	simm.s32 $0x180  }
0x4: {  	s16 =	simm.s32 $0x900;
	s17 =	simm.s32 $0x200;
	s18 =	simm.s32 $0x980  }
0x5: {  	s19 =	simm.s32 $0x280;
	[smem:$0x7FF] =	sst s3;
	s8 =	sadd.s32 $0x3EC00, s0  }
0x6: {  	s20 =	simm.s32 $0xA00;
	_ =	strace $0x8000004A;
	[dreg:$0x13] =	wrdreg s8  }
0x7: {  	s21 =	simm.s32 $0x300;
	s22 =	simm.s32 $0xA80;
	[dreg:$0x5] =	wrdreg s12  }
0x8: {  	s23 =	simm.s32 $0x380;
	s24 =	simm.s32 $0xB00;
	[dreg:$0x6] =	wrdreg s14  }
0x9: {  	s28 =	simm.s32 $0x680;
	s29 =	simm.s32 $0xE00;
	[dreg:$0x7] =	wrdreg s15  }
0xa: {  	s30 =	simm.s32 $0x700;
	s31 =	simm.s32 $0xE80;
	[dreg:$0x8] =	wrdreg s16  }
0xb: {  	s2 =	sand.u32 $0x1, s2;
	s7 =	smul.u32 $0x14000, s10;
	[dreg:$0x9] =	wrdreg s17  }
0xc: {  	s4 =	sadd.s32 $0x17A00, s0;
	s25 =	smul.u32 $0x500, s10;
	[dreg:$0xa] =	wrdreg s18  }
0xd: {  	s9 =	smul.u32 $0x50000, s10;
	s13 =	sshll.u32 s10, $0x6;
	[dreg:$0xb] =	wrdreg s19  }
0xe: {  	s10 =	simm.s32 $0x5;
	s5 =	smul.u32 $0x5000, s2;
	[dreg:$0xc] =	wrdreg s20  }
0xf: {  	s6 =	smul.u32 $0x140000, s2;
	s2 =	ssub.s32 $0x2, s2;
	[dreg:$0xd] =	wrdreg s21  }
0x10: {  	s12 =	simm.s32 $0x80;
	s14 =	simm.s32 $0x5000;
	[dreg:$0xe] =	wrdreg s22  }
0x11: {  	s15 =	simm.s32 $0x1;
	[dreg:$0xf] =	wrdreg s23;
	s16 =	simm.s32 $0x3  }
0x12: {  	[dreg:$0x10] =	wrdreg s24;
	s17 =	simm.s32 $0x2;
	s18 =	simm.s32 $0x4  }
0x13: {  	s19 =	simm.s32 $0x480;
	s20 =	simm.s32 $0xC00;
	s21 =	simm.s32 $0x500  }
0x14: {  	s22 =	simm.s32 $0xC80;
	s23 =	simm.s32 $0x580;
	s24 =	simm.s32 $0xD00  }
0x15: {  	s26 =	sshrl.u32 s2, $0x1;
	s9 =	sshrl.u32 s9, $0x2;
	s5 =	sadd.s32 s5, s0  }
0x16: {  	s6 =	sadd.s32 s7, s6;
	s2 =	ssub.s32 s2, s26;
	s11 =	sadd.s32 s9, s1  }
0x17: {  	s7 =	sor.u32 $0x1C05, s13;
	s13 =	simm.s32 $0x1000;
	s26 =	simm.s32 $0xB80  }
0x18: {  	s9 =	simm.s32 $0x0;
	s6 =	sshrl.u32 s6, $0x3;
	[dreg:$0x12] =	wrdreg s26  }
0x19: {  	s5 =	sadd.s32 s25, s5;
	s2 =	smax.u32 s2, $0x1;
	[dreg:$0x14] =	wrdreg s7  }
0x1a: {  	s25 =	simm.s32 $0x400;
	s26 =	simm.s32 $0xD80;
	[dreg:$0x16] =	wrdreg s2  }
0x1b: {  	s0 =	sadd.s32 s6, s0;
	s8 =	sadd.s32 $0x3A00, s5;
	[dreg:$0x11] =	wrdreg s25  }
0x1c: {  	s5 =	sadd.s32 $0xDA00, s5;
	s25 =	simm.s32 $0x600;
	[dreg:$0x3] =	wrdreg s8  }
0x1d: {  	s2 =	simm.s32 $0xF00;
	[dreg:$0x4] =	wrdreg s5;
	s0 =	sadd.s32 $0x41400, s0  }
0x1e: {  	s8 =	sshrl.u32 s11, $0x3;
	s11 =	simm.s32 $0x800;
	[dreg:$0x15] =	wrdreg s0  }
0x1f: {  	s5 =	simm.s32 $0xF80;
	s0 =	simm.s32 $0x780;
	[dreg:$0x17] =	wrdreg s8  }
.LBB2_1:
0x20: {  	[dreg:$0x18] =	wrdreg s9  }
0x21: {  	s6 =	rddreg [dreg:$0x13]  }
0x22: {  	[spmem:s8], [sflag:s7] =	dma.local [hbm:s6], $0x2800  }
0x23: {  	_ =	swait.ge [sflag:s10], $0x2800  }
0x24: {  	[sflag:s10] =	ssyncset.done $0x0  }
0x25: {  	[sflag:s10] =	ssyncadd.s32 $0xFFFFD800  }
0x26: {  	[bflag:$0x0] =	sbarrier.arrive $0xFFFF  }
0x27: {  	s9 =	rddreg [dreg:$0x4]  }
0x28: {  	s6 =	sadd.s32 $0x0, s9  }
0x29: {  	[tilespmem:s3], [sflag:$0x5] =	stream.linear.gather [hbm4b:s6+s3], $0x800, $0x38;
	[tilespmem:$0x1D000] =	vst v63  }
0x2a: {  	_ =	swait.ge [sflag:s10], $0x800  }
0x2b: {  	s7 =	rddreg [dreg:$0x3];
	[sflag:s10] =	ssyncset.done $0x0  }
0x2c: {  	[sflag:s10] =	ssyncadd.s32 $0xFFFFF800;
	s6 =	sadd.s32 $0x0, s7  }
0x2d: {  	[tilespmem:s11], [sflag:$0x5] =	stream.linear.gather [hbm4b:s6+s3], $0x800, $0x38;
	[tilespmem:$0x1D000] =	vst v63  }
0x2e: {  	_ =	swait.ge [sflag:s10], $0x800  }
0x2f: {  	[sflag:s10] =	ssyncset.done $0x0  }
0x30: {  	[sflag:s10] =	ssyncadd.s32 $0xFFFFF800  }
0x31: {  	[tilespmem:s13], [sflag:$0x1] =	stream.indirect.gather [hbm4b:s4+s12], $0x80, s3, s12, $0xb8;
	[tilespmem:$0x1D000] =	vst v63  }
0x32: {  	_ = 	snop  }
0x33: {  	[tilespmem:s14], [sflag:$0x2] =	stream.indirect.gather [hbm4b:s4+s12], $0x80, s12, s12, $0xb8;
	[tilespmem:$0x1D000] =	vst v63  }
0x34: {  	_ =	swait.ge [sflag:s15], $0x4000  }
0x35: {  	[sflag:s15] =	ssyncset.done $0x0  }
0x36: {  	[sflag:s15] =	ssyncadd.s32 $0xFFFFC000  }
0x37: {  	[spmem:s1] =	stream.indirect.scatter.add.f32 [tilespmem:s13], [sflag:$0x3], $0x80, s11, s12, $0xb8;
	[tilespmem:$0x1D000] =	vst v63  }
0x38: {  	_ =	swait.ge [sflag:s16], $0x4000  }
0x39: {  	[sflag:s16] =	ssyncset.done $0x0  }
0x3a: {  	s8 =	rddreg [dreg:$0x5];
	[sflag:s16] =	ssyncadd.s32 $0xFFFFC000  }
0x3b: {  	[tilespmem:s13], [sflag:$0x1] =	stream.indirect.gather [hbm4b:s4+s12], $0x80, s8, s12, $0xb8;
	[tilespmem:$0x1D000] =	vst v63  }
0x3c: {  	_ =	swait.ge [sflag:s17], $0x4000  }
0x3d: {  	[sflag:s17] =	ssyncset.done $0x0  }
0x3e: {  	s9 =	rddreg [dreg:$0x6];
	[sflag:s17] =	ssyncadd.s32 $0xFFFFC000  }
0x3f: {  	[spmem:s1] =	stream.indirect.scatter.add.f32 [tilespmem:s14], [sflag:$0x4], $0x80, s9, s12, $0xb8;
	[tilespmem:$0x1D000] =	vst v63  }
0x40: {  	_ =	swait.ge [sflag:s18], $0x4000  }
0x41: {  	[sflag:s18] =	ssyncset.done $0x0  }
0x42: {  	s7 =	rddreg [dreg:$0x7];
	[sflag:s18] =	ssyncadd.s32 $0xFFFFC000  }
0x43: {  	[tilespmem:s14], [sflag:$0x2] =	stream.indirect.gather [hbm4b:s4+s12], $0x80, s7, s12, $0xb8;
	[tilespmem:$0x1D000] =	vst v63  }
0x44: {  	_ =	swait.ge [sflag:s15], $0x4000  }
0x45: {  	[sflag:s15] =	ssyncset.done $0x0  }
0x46: {  	s8 =	rddreg [dreg:$0x8];
	[sflag:s15] =	ssyncadd.s32 $0xFFFFC000  }
0x47: {  	[spmem:s1] =	stream.indirect.scatter.add.f32 [tilespmem:s13], [sflag:$0x3], $0x80, s8, s12, $0xb8;
	[tilespmem:$0x1D000] =	vst v63  }
0x48: {  	_ =	swait.ge [sflag:s16], $0x4000  }
0x49: {  	[sflag:s16] =	ssyncset.done $0x0  }
0x4a: {  	s9 =	rddreg [dreg:$0x9];
	[sflag:s16] =	ssyncadd.s32 $0xFFFFC000  }
0x4b: {  	[tilespmem:s13], [sflag:$0x1] =	stream.indirect.gather [hbm4b:s4+s12], $0x80, s9, s12, $0xb8;
	[tilespmem:$0x1D000] =	vst v63  }
0x4c: {  	_ =	swait.ge [sflag:s17], $0x4000  }
0x4d: {  	[sflag:s17] =	ssyncset.done $0x0  }
0x4e: {  	s7 =	rddreg [dreg:$0xa];
	[sflag:s17] =	ssyncadd.s32 $0xFFFFC000  }
0x4f: {  	[spmem:s1] =	stream.indirect.scatter.add.f32 [tilespmem:s14], [sflag:$0x4], $0x80, s7, s12, $0xb8;
	[tilespmem:$0x1D000] =	vst v63  }
0x50: {  	_ =	swait.ge [sflag:s18], $0x4000  }
0x51: {  	[sflag:s18] =	ssyncset.done $0x0  }
0x52: {  	s8 =	rddreg [dreg:$0xb];
	[sflag:s18] =	ssyncadd.s32 $0xFFFFC000  }
0x53: {  	[tilespmem:s14], [sflag:$0x2] =	stream.indirect.gather [hbm4b:s4+s12], $0x80, s8, s12, $0xb8;
	[tilespmem:$0x1D000] =	vst v63  }
0x54: {  	_ =	swait.ge [sflag:s15], $0x4000  }
0x55: {  	[sflag:s15] =	ssyncset.done $0x0  }
0x56: {  	s9 =	rddreg [dreg:$0xc];
	[sflag:s15] =	ssyncadd.s32 $0xFFFFC000  }
0x57: {  	[spmem:s1] =	stream.indirect.scatter.add.f32 [tilespmem:s13], [sflag:$0x3], $0x80, s9, s12, $0xb8;
	[tilespmem:$0x1D000] =	vst v63  }
0x58: {  	_ =	swait.ge [sflag:s16], $0x4000  }
0x59: {  	[sflag:s16] =	ssyncset.done $0x0  }
0x5a: {  	s7 =	rddreg [dreg:$0xd];
	[sflag:s16] =	ssyncadd.s32 $0xFFFFC000  }
0x5b: {  	[tilespmem:s13], [sflag:$0x1] =	stream.indirect.gather [hbm4b:s4+s12], $0x80, s7, s12, $0xb8;
	[tilespmem:$0x1D000] =	vst v63  }
0x5c: {  	_ =	swait.ge [sflag:s17], $0x4000  }
0x5d: {  	[sflag:s17] =	ssyncset.done $0x0  }
0x5e: {  	s8 =	rddreg [dreg:$0xe];
	[sflag:s17] =	ssyncadd.s32 $0xFFFFC000  }
0x5f: {  	[spmem:s1] =	stream.indirect.scatter.add.f32 [tilespmem:s14], [sflag:$0x4], $0x80, s8, s12, $0xb8;
	[tilespmem:$0x1D000] =	vst v63  }
0x60: {  	_ =	swait.ge [sflag:s18], $0x4000  }
0x61: {  	[sflag:s18] =	ssyncset.done $0x0  }
0x62: {  	s9 =	rddreg [dreg:$0xf];
	[sflag:s18] =	ssyncadd.s32 $0xFFFFC000  }
0x63: {  	[tilespmem:s14], [sflag:$0x2] =	stream.indirect.gather [hbm4b:s4+s12], $0x80, s9, s12, $0xb8;
	[tilespmem:$0x1D000] =	vst v63  }
0x64: {  	_ =	swait.ge [sflag:s15], $0x4000  }
0x65: {  	[sflag:s15] =	ssyncset.done $0x0  }
0x66: {  	s7 =	rddreg [dreg:$0x10];
	[sflag:s15] =	ssyncadd.s32 $0xFFFFC000  }
0x67: {  	[spmem:s1] =	stream.indirect.scatter.add.f32 [tilespmem:s13], [sflag:$0x3], $0x80, s7, s12, $0xb8;
	[tilespmem:$0x1D000] =	vst v63  }
0x68: {  	_ =	swait.ge [sflag:s16], $0x4000  }
0x69: {  	[sflag:s16] =	ssyncset.done $0x0  }
0x6a: {  	s8 =	rddreg [dreg:$0x11];
	[sflag:s16] =	ssyncadd.s32 $0xFFFFC000  }
0x6b: {  	[tilespmem:s13], [sflag:$0x1] =	stream.indirect.gather [hbm4b:s4+s12], $0x80, s8, s12, $0xb8;
	[tilespmem:$0x1D000] =	vst v63  }
0x6c: {  	_ =	swait.ge [sflag:s17], $0x4000  }
0x6d: {  	[sflag:s17] =	ssyncset.done $0x0  }
0x6e: {  	s9 =	rddreg [dreg:$0x12];
	[sflag:s17] =	ssyncadd.s32 $0xFFFFC000  }
0x6f: {  	[spmem:s1] =	stream.indirect.scatter.add.f32 [tilespmem:s14], [sflag:$0x4], $0x80, s9, s12, $0xb8;
	[tilespmem:$0x1D000] =	vst v63  }
0x70: {  	_ =	swait.ge [sflag:s18], $0x4000  }
0x71: {  	[sflag:s18] =	ssyncset.done $0x0  }
0x72: {  	[sflag:s18] =	ssyncadd.s32 $0xFFFFC000  }
0x73: {  	[tilespmem:s14], [sflag:$0x2] =	stream.indirect.gather [hbm4b:s4+s12], $0x80, s19, s12, $0xb8;
	[tilespmem:$0x1D000] =	vst v63  }
0x74: {  	_ =	swait.ge [sflag:s15], $0x4000  }
0x75: {  	[sflag:s15] =	ssyncset.done $0x0  }
0x76: {  	[sflag:s15] =	ssyncadd.s32 $0xFFFFC000  }
0x77: {  	[spmem:s1] =	stream.indirect.scatter.add.f32 [tilespmem:s13], [sflag:$0x3], $0x80, s20, s12, $0xb8;
	[tilespmem:$0x1D000] =	vst v63  }
0x78: {  	_ =	swait.ge [sflag:s16], $0x4000  }
0x79: {  	[sflag:s16] =	ssyncset.done $0x0  }
0x7a: {  	[sflag:s16] =	ssyncadd.s32 $0xFFFFC000  }
0x7b: {  	[tilespmem:s13], [sflag:$0x1] =	stream.indirect.gather [hbm4b:s4+s12], $0x80, s21, s12, $0xb8;
	[tilespmem:$0x1D000] =	vst v63  }
0x7c: {  	_ =	swait.ge [sflag:s17], $0x4000  }
0x7d: {  	[sflag:s17] =	ssyncset.done $0x0  }
0x7e: {  	[sflag:s17] =	ssyncadd.s32 $0xFFFFC000  }
0x7f: {  	[spmem:s1] =	stream.indirect.scatter.add.f32 [tilespmem:s14], [sflag:$0x4], $0x80, s22, s12, $0xb8;
	[tilespmem:$0x1D000] =	vst v63  }
0x80: {  	_ =	swait.ge [sflag:s18], $0x4000  }
0x81: {  	[sflag:s18] =	ssyncset.done $0x0  }
0x82: {  	[sflag:s18] =	ssyncadd.s32 $0xFFFFC000  }
0x83: {  	[tilespmem:s14], [sflag:$0x2] =	stream.indirect.gather [hbm4b:s4+s12], $0x80, s23, s12, $0xb8;
	[tilespmem:$0x1D000] =	vst v63  }
0x84: {  	_ =	swait.ge [sflag:s15], $0x4000  }
0x85: {  	[sflag:s15] =	ssyncset.done $0x0  }
0x86: {  	[sflag:s15] =	ssyncadd.s32 $0xFFFFC000  }
0x87: {  	[spmem:s1] =	stream.indirect.scatter.add.f32 [tilespmem:s13], [sflag:$0x3], $0x80, s24, s12, $0xb8;
	[tilespmem:$0x1D000] =	vst v63  }
0x88: {  	_ =	swait.ge [sflag:s16], $0x4000  }
0x89: {  	[sflag:s16] =	ssyncset.done $0x0  }
0x8a: {  	[sflag:s16] =	ssyncadd.s32 $0xFFFFC000  }
0x8b: {  	[tilespmem:s13], [sflag:$0x1] =	stream.indirect.gather [hbm4b:s4+s12], $0x80, s25, s12, $0xb8;
	[tilespmem:$0x1D000] =	vst v63  }
0x8c: {  	_ =	swait.ge [sflag:s17], $0x4000  }
0x8d: {  	[sflag:s17] =	ssyncset.done $0x0  }
0x8e: {  	[sflag:s17] =	ssyncadd.s32 $0xFFFFC000  }
0x8f: {  	[spmem:s1] =	stream.indirect.scatter.add.f32 [tilespmem:s14], [sflag:$0x4], $0x80, s26, s12, $0xb8;
	[tilespmem:$0x1D000] =	vst v63  }
0x90: {  	_ =	swait.ge [sflag:s18], $0x4000  }
0x91: {  	[sflag:s18] =	ssyncset.done $0x0  }
0x92: {  	[sflag:s18] =	ssyncadd.s32 $0xFFFFC000  }
0x93: {  	[tilespmem:s14], [sflag:$0x2] =	stream.indirect.gather [hbm4b:s4+s12], $0x80, s28, s12, $0xb8;
	[tilespmem:$0x1D000] =	vst v63  }
0x94: {  	_ =	swait.ge [sflag:s15], $0x4000  }
0x95: {  	[sflag:s15] =	ssyncset.done $0x0  }
0x96: {  	[sflag:s15] =	ssyncadd.s32 $0xFFFFC000  }
0x97: {  	[spmem:s1] =	stream.indirect.scatter.add.f32 [tilespmem:s13], [sflag:$0x3], $0x80, s29, s12, $0xb8;
	[tilespmem:$0x1D000] =	vst v63  }
0x98: {  	_ =	swait.ge [sflag:s16], $0x4000  }
0x99: {  	[sflag:s16] =	ssyncset.done $0x0  }
0x9a: {  	[sflag:s16] =	ssyncadd.s32 $0xFFFFC000  }
0x9b: {  	[tilespmem:s13], [sflag:$0x1] =	stream.indirect.gather [hbm4b:s4+s12], $0x80, s30, s12, $0xb8;
	[tilespmem:$0x1D000] =	vst v63  }
0x9c: {  	_ =	swait.ge [sflag:s17], $0x4000  }
0x9d: {  	[sflag:s17] =	ssyncset.done $0x0  }
0x9e: {  	[sflag:s17] =	ssyncadd.s32 $0xFFFFC000  }
0x9f: {  	[spmem:s1] =	stream.indirect.scatter.add.f32 [tilespmem:s14], [sflag:$0x4], $0x80, s31, s12, $0xb8;
	[tilespmem:$0x1D000] =	vst v63  }
0xa0: {  	_ =	swait.ge [sflag:s18], $0x4000  }
0xa1: {  	[sflag:s18] =	ssyncset.done $0x0  }
0xa2: {  	[sflag:s18] =	ssyncadd.s32 $0xFFFFC000  }
0xa3: {  	[tilespmem:s14], [sflag:$0x2] =	stream.indirect.gather [hbm4b:s4+s12], $0x80, s0, s12, $0xb8;
	[tilespmem:$0x1D000] =	vst v63  }
0xa4: {  	_ =	swait.ge [sflag:s15], $0x4000  }
0xa5: {  	[sflag:s15] =	ssyncset.done $0x0  }
0xa6: {  	[sflag:s15] =	ssyncadd.s32 $0xFFFFC000  }
0xa7: {  	[spmem:s1] =	stream.indirect.scatter.add.f32 [tilespmem:s13], [sflag:$0x3], $0x80, s2, s12, $0xb8;
	[tilespmem:$0x1D000] =	vst v63  }
0xa8: {  	_ =	swait.ge [sflag:s17], $0x4000  }
0xa9: {  	[sflag:s17] =	ssyncset.done $0x0  }
0xaa: {  	[sflag:s17] =	ssyncadd.s32 $0xFFFFC000  }
0xab: {  	[spmem:s1] =	stream.indirect.scatter.add.f32 [tilespmem:s14], [sflag:$0x4], $0x80, s5, s12, $0xb8;
	[tilespmem:$0x1D000] =	vst v63  }
0xac: {  	_ =	swait.ge [sflag:s16], $0x4000  }
0xad: {  	[sflag:s16] =	ssyncset.done $0x0  }
0xae: {  	[sflag:s16] =	ssyncadd.s32 $0xFFFFC000  }
0xaf: {  	s6 =	simm.s32 $0x200;
	_ =	swait.ge [sflag:s18], $0x4000  }
0xb0: {  	s8 =	simm.s32 $0x100;
	s9 =	rddreg [dreg:$0x4];
	[sflag:s18] =	ssyncset.done $0x0  }
.LBB2_2:
0xb1: {  	[sflag:s18] =	ssyncadd.s32 $0xFFFFC000;
	s9 =	sadd.s32 s8, s9  }
0xb2: {  	[tilespmem:s3], [sflag:$0x5] =	stream.linear.gather [hbm4b:s9+s3], $0x800, $0x38;
	[tilespmem:$0x1D000] =	vst v63  }
0xb3: {  	_ =	swait.ge [sflag:s10], $0x800  }
0xb4: {  	s9 =	rddreg [dreg:$0x3];
	[sflag:s10] =	ssyncset.done $0x0  }
0xb5: {  	[sflag:s10] =	ssyncadd.s32 $0xFFFFF800;
	s9 =	sadd.s32 s8, s9  }
0xb6: {  	[tilespmem:s11], [sflag:$0x5] =	stream.linear.gather [hbm4b:s9+s3], $0x800, $0x38;
	[tilespmem:$0x1D000] =	vst v63  }
0xb7: {  	_ =	swait.ge [sflag:s10], $0x800  }
0xb8: {  	[sflag:s10] =	ssyncset.done $0x0  }
0xb9: {  	[sflag:s10] =	ssyncadd.s32 $0xFFFFF800  }
0xba: {  	[tilespmem:s13], [sflag:$0x1] =	stream.indirect.gather [hbm4b:s4+s12], $0x80, s3, s12, $0xb8;
	[tilespmem:$0x1D000] =	vst v63  }
0xbb: {  	_ = 	snop  }
0xbc: {  	[tilespmem:s14], [sflag:$0x2] =	stream.indirect.gather [hbm4b:s4+s12], $0x80, s12, s12, $0xb8;
	[tilespmem:$0x1D000] =	vst v63  }
0xbd: {  	_ =	swait.ge [sflag:s15], $0x4000  }
0xbe: {  	[sflag:s15] =	ssyncset.done $0x0  }
0xbf: {  	[sflag:s15] =	ssyncadd.s32 $0xFFFFC000  }
0xc0: {  	[spmem:s1] =	stream.indirect.scatter.add.f32 [tilespmem:s13], [sflag:$0x3], $0x80, s11, s12, $0xb8;
	[tilespmem:$0x1D000] =	vst v63  }
0xc1: {  	_ =	swait.ge [sflag:s16], $0x4000  }
0xc2: {  	[sflag:s16] =	ssyncset.done $0x0  }
0xc3: {  	s9 =	rddreg [dreg:$0x5];
	[sflag:s16] =	ssyncadd.s32 $0xFFFFC000  }
0xc4: {  	[tilespmem:s13], [sflag:$0x1] =	stream.indirect.gather [hbm4b:s4+s12], $0x80, s9, s12, $0xb8;
	[tilespmem:$0x1D000] =	vst v63  }
0xc5: {  	_ =	swait.ge [sflag:s17], $0x4000  }
0xc6: {  	[sflag:s17] =	ssyncset.done $0x0  }
0xc7: {  	s9 =	rddreg [dreg:$0x6];
	[sflag:s17] =	ssyncadd.s32 $0xFFFFC000  }
0xc8: {  	[spmem:s1] =	stream.indirect.scatter.add.f32 [tilespmem:s14], [sflag:$0x4], $0x80, s9, s12, $0xb8;
	[tilespmem:$0x1D000] =	vst v63  }
0xc9: {  	_ =	swait.ge [sflag:s18], $0x4000  }
0xca: {  	[sflag:s18] =	ssyncset.done $0x0  }
0xcb: {  	s9 =	rddreg [dreg:$0x7];
	[sflag:s18] =	ssyncadd.s32 $0xFFFFC000  }
0xcc: {  	[tilespmem:s14], [sflag:$0x2] =	stream.indirect.gather [hbm4b:s4+s12], $0x80, s9, s12, $0xb8;
	[tilespmem:$0x1D000] =	vst v63  }
0xcd: {  	_ =	swait.ge [sflag:s15], $0x4000  }
0xce: {  	[sflag:s15] =	ssyncset.done $0x0  }
0xcf: {  	s9 =	rddreg [dreg:$0x8];
	[sflag:s15] =	ssyncadd.s32 $0xFFFFC000  }
0xd0: {  	[spmem:s1] =	stream.indirect.scatter.add.f32 [tilespmem:s13], [sflag:$0x3], $0x80, s9, s12, $0xb8;
	[tilespmem:$0x1D000] =	vst v63  }
0xd1: {  	_ =	swait.ge [sflag:s16], $0x4000  }
0xd2: {  	[sflag:s16] =	ssyncset.done $0x0  }
0xd3: {  	s9 =	rddreg [dreg:$0x9];
	[sflag:s16] =	ssyncadd.s32 $0xFFFFC000  }
0xd4: {  	[tilespmem:s13], [sflag:$0x1] =	stream.indirect.gather [hbm4b:s4+s12], $0x80, s9, s12, $0xb8;
	[tilespmem:$0x1D000] =	vst v63  }
0xd5: {  	_ =	swait.ge [sflag:s17], $0x4000  }
0xd6: {  	[sflag:s17] =	ssyncset.done $0x0  }
0xd7: {  	s9 =	rddreg [dreg:$0xa];
	[sflag:s17] =	ssyncadd.s32 $0xFFFFC000  }
0xd8: {  	[spmem:s1] =	stream.indirect.scatter.add.f32 [tilespmem:s14], [sflag:$0x4], $0x80, s9, s12, $0xb8;
	[tilespmem:$0x1D000] =	vst v63  }
0xd9: {  	_ =	swait.ge [sflag:s18], $0x4000  }
0xda: {  	[sflag:s18] =	ssyncset.done $0x0  }
0xdb: {  	s9 =	rddreg [dreg:$0xb];
	[sflag:s18] =	ssyncadd.s32 $0xFFFFC000  }
0xdc: {  	[tilespmem:s14], [sflag:$0x2] =	stream.indirect.gather [hbm4b:s4+s12], $0x80, s9, s12, $0xb8;
	[tilespmem:$0x1D000] =	vst v63  }
0xdd: {  	_ =	swait.ge [sflag:s15], $0x4000  }
0xde: {  	[sflag:s15] =	ssyncset.done $0x0  }
0xdf: {  	s9 =	rddreg [dreg:$0xc];
	[sflag:s15] =	ssyncadd.s32 $0xFFFFC000  }
0xe0: {  	[spmem:s1] =	stream.indirect.scatter.add.f32 [tilespmem:s13], [sflag:$0x3], $0x80, s9, s12, $0xb8;
	[tilespmem:$0x1D000] =	vst v63  }
0xe1: {  	_ =	swait.ge [sflag:s16], $0x4000  }
0xe2: {  	[sflag:s16] =	ssyncset.done $0x0  }
0xe3: {  	s9 =	rddreg [dreg:$0xd];
	[sflag:s16] =	ssyncadd.s32 $0xFFFFC000  }
0xe4: {  	[tilespmem:s13], [sflag:$0x1] =	stream.indirect.gather [hbm4b:s4+s12], $0x80, s9, s12, $0xb8;
	[tilespmem:$0x1D000] =	vst v63  }
0xe5: {  	_ =	swait.ge [sflag:s17], $0x4000  }
0xe6: {  	[sflag:s17] =	ssyncset.done $0x0  }
0xe7: {  	s9 =	rddreg [dreg:$0xe];
	[sflag:s17] =	ssyncadd.s32 $0xFFFFC000  }
0xe8: {  	[spmem:s1] =	stream.indirect.scatter.add.f32 [tilespmem:s14], [sflag:$0x4], $0x80, s9, s12, $0xb8;
	[tilespmem:$0x1D000] =	vst v63  }
0xe9: {  	_ =	swait.ge [sflag:s18], $0x4000  }
0xea: {  	[sflag:s18] =	ssyncset.done $0x0  }
0xeb: {  	s9 =	rddreg [dreg:$0xf];
	[sflag:s18] =	ssyncadd.s32 $0xFFFFC000  }
0xec: {  	[tilespmem:s14], [sflag:$0x2] =	stream.indirect.gather [hbm4b:s4+s12], $0x80, s9, s12, $0xb8;
	[tilespmem:$0x1D000] =	vst v63  }
0xed: {  	_ =	swait.ge [sflag:s15], $0x4000  }
0xee: {  	[sflag:s15] =	ssyncset.done $0x0  }
0xef: {  	s9 =	rddreg [dreg:$0x10];
	[sflag:s15] =	ssyncadd.s32 $0xFFFFC000  }
0xf0: {  	[spmem:s1] =	stream.indirect.scatter.add.f32 [tilespmem:s13], [sflag:$0x3], $0x80, s9, s12, $0xb8;
	[tilespmem:$0x1D000] =	vst v63  }
0xf1: {  	_ =	swait.ge [sflag:s16], $0x4000  }
0xf2: {  	[sflag:s16] =	ssyncset.done $0x0  }
0xf3: {  	s9 =	rddreg [dreg:$0x11];
	[sflag:s16] =	ssyncadd.s32 $0xFFFFC000  }
0xf4: {  	[tilespmem:s13], [sflag:$0x1] =	stream.indirect.gather [hbm4b:s4+s12], $0x80, s9, s12, $0xb8;
	[tilespmem:$0x1D000] =	vst v63  }
0xf5: {  	_ =	swait.ge [sflag:s17], $0x4000  }
0xf6: {  	[sflag:s17] =	ssyncset.done $0x0  }
0xf7: {  	s9 =	rddreg [dreg:$0x12];
	[sflag:s17] =	ssyncadd.s32 $0xFFFFC000  }
0xf8: {  	[spmem:s1] =	stream.indirect.scatter.add.f32 [tilespmem:s14], [sflag:$0x4], $0x80, s9, s12, $0xb8;
	[tilespmem:$0x1D000] =	vst v63  }
0xf9: {  	_ =	swait.ge [sflag:s18], $0x4000  }
0xfa: {  	[sflag:s18] =	ssyncset.done $0x0  }
0xfb: {  	[sflag:s18] =	ssyncadd.s32 $0xFFFFC000  }
0xfc: {  	[tilespmem:s14], [sflag:$0x2] =	stream.indirect.gather [hbm4b:s4+s12], $0x80, s19, s12, $0xb8;
	[tilespmem:$0x1D000] =	vst v63  }
0xfd: {  	_ =	swait.ge [sflag:s15], $0x4000  }
0xfe: {  	[sflag:s15] =	ssyncset.done $0x0  }
0xff: {  	[sflag:s15] =	ssyncadd.s32 $0xFFFFC000  }
0x100: {  	[spmem:s1] =	stream.indirect.scatter.add.f32 [tilespmem:s13], [sflag:$0x3], $0x80, s20, s12, $0xb8;
	[tilespmem:$0x1D000] =	vst v63  }
0x101: {  	_ =	swait.ge [sflag:s16], $0x4000  }
0x102: {  	[sflag:s16] =	ssyncset.done $0x0  }
0x103: {  	[sflag:s16] =	ssyncadd.s32 $0xFFFFC000  }
0x104: {  	[tilespmem:s13], [sflag:$0x1] =	stream.indirect.gather [hbm4b:s4+s12], $0x80, s21, s12, $0xb8;
	[tilespmem:$0x1D000] =	vst v63  }
0x105: {  	_ =	swait.ge [sflag:s17], $0x4000  }
0x106: {  	[sflag:s17] =	ssyncset.done $0x0  }
0x107: {  	[sflag:s17] =	ssyncadd.s32 $0xFFFFC000  }
0x108: {  	[spmem:s1] =	stream.indirect.scatter.add.f32 [tilespmem:s14], [sflag:$0x4], $0x80, s22, s12, $0xb8;
	[tilespmem:$0x1D000] =	vst v63  }
0x109: {  	_ =	swait.ge [sflag:s18], $0x4000  }
0x10a: {  	[sflag:s18] =	ssyncset.done $0x0  }
0x10b: {  	[sflag:s18] =	ssyncadd.s32 $0xFFFFC000  }
0x10c: {  	[tilespmem:s14], [sflag:$0x2] =	stream.indirect.gather [hbm4b:s4+s12], $0x80, s23, s12, $0xb8;
	[tilespmem:$0x1D000] =	vst v63  }
0x10d: {  	_ =	swait.ge [sflag:s15], $0x4000  }
0x10e: {  	[sflag:s15] =	ssyncset.done $0x0  }
0x10f: {  	[sflag:s15] =	ssyncadd.s32 $0xFFFFC000  }
0x110: {  	[spmem:s1] =	stream.indirect.scatter.add.f32 [tilespmem:s13], [sflag:$0x3], $0x80, s24, s12, $0xb8;
	[tilespmem:$0x1D000] =	vst v63  }
0x111: {  	_ =	swait.ge [sflag:s16], $0x4000  }
0x112: {  	[sflag:s16] =	ssyncset.done $0x0  }
0x113: {  	[sflag:s16] =	ssyncadd.s32 $0xFFFFC000  }
0x114: {  	[tilespmem:s13], [sflag:$0x1] =	stream.indirect.gather [hbm4b:s4+s12], $0x80, s25, s12, $0xb8;
	[tilespmem:$0x1D000] =	vst v63  }
0x115: {  	_ =	swait.ge [sflag:s17], $0x4000  }
0x116: {  	[sflag:s17] =	ssyncset.done $0x0  }
0x117: {  	[sflag:s17] =	ssyncadd.s32 $0xFFFFC000  }
0x118: {  	[spmem:s1] =	stream.indirect.scatter.add.f32 [tilespmem:s14], [sflag:$0x4], $0x80, s26, s12, $0xb8;
	[tilespmem:$0x1D000] =	vst v63  }
0x119: {  	_ =	swait.ge [sflag:s18], $0x4000  }
0x11a: {  	[sflag:s18] =	ssyncset.done $0x0  }
0x11b: {  	[sflag:s18] =	ssyncadd.s32 $0xFFFFC000  }
0x11c: {  	[tilespmem:s14], [sflag:$0x2] =	stream.indirect.gather [hbm4b:s4+s12], $0x80, s28, s12, $0xb8;
	[tilespmem:$0x1D000] =	vst v63  }
0x11d: {  	_ =	swait.ge [sflag:s15], $0x4000  }
0x11e: {  	[sflag:s15] =	ssyncset.done $0x0  }
0x11f: {  	[sflag:s15] =	ssyncadd.s32 $0xFFFFC000  }
0x120: {  	[spmem:s1] =	stream.indirect.scatter.add.f32 [tilespmem:s13], [sflag:$0x3], $0x80, s29, s12, $0xb8;
	[tilespmem:$0x1D000] =	vst v63  }
0x121: {  	_ =	swait.ge [sflag:s16], $0x4000  }
0x122: {  	[sflag:s16] =	ssyncset.done $0x0  }
0x123: {  	[sflag:s16] =	ssyncadd.s32 $0xFFFFC000  }
0x124: {  	[tilespmem:s13], [sflag:$0x1] =	stream.indirect.gather [hbm4b:s4+s12], $0x80, s30, s12, $0xb8;
	[tilespmem:$0x1D000] =	vst v63  }
0x125: {  	_ =	swait.ge [sflag:s17], $0x4000  }
0x126: {  	[sflag:s17] =	ssyncset.done $0x0  }
0x127: {  	[sflag:s17] =	ssyncadd.s32 $0xFFFFC000  }
0x128: {  	[spmem:s1] =	stream.indirect.scatter.add.f32 [tilespmem:s14], [sflag:$0x4], $0x80, s31, s12, $0xb8;
	[tilespmem:$0x1D000] =	vst v63  }
0x129: {  	_ =	swait.ge [sflag:s18], $0x4000  }
0x12a: {  	[sflag:s18] =	ssyncset.done $0x0  }
0x12b: {  	[sflag:s18] =	ssyncadd.s32 $0xFFFFC000  }
0x12c: {  	[tilespmem:s14], [sflag:$0x2] =	stream.indirect.gather [hbm4b:s4+s12], $0x80, s0, s12, $0xb8;
	[tilespmem:$0x1D000] =	vst v63  }
0x12d: {  	_ =	swait.ge [sflag:s15], $0x4000  }
0x12e: {  	[sflag:s15] =	ssyncset.done $0x0  }
0x12f: {  	[sflag:s15] =	ssyncadd.s32 $0xFFFFC000  }
0x130: {  	[spmem:s1] =	stream.indirect.scatter.add.f32 [tilespmem:s13], [sflag:$0x3], $0x80, s2, s12, $0xb8;
	[tilespmem:$0x1D000] =	vst v63  }
0x131: {  	_ =	swait.ge [sflag:s17], $0x4000  }
0x132: {  	[sflag:s17] =	ssyncset.done $0x0  }
0x133: {  	p0 =	sne.s32 s6, $0x400;
	[sflag:s17] =	ssyncadd.s32 $0xFFFFC000  }
0x134: {  	[spmem:s1] =	stream.indirect.scatter.add.f32 [tilespmem:s14], [sflag:$0x4], $0x80, s5, s12, $0xb8;
	[tilespmem:$0x1D000] =	vst v63  }
.Ltmp0:
0x135: {  	_ =	swait.ge [sflag:s16], $0x4000;
	(pc) =	sbr.rel @p0 .LBB2_2-.Ltmp0, $4  }
0x136: {  	[sflag:s16] =	ssyncset.done $0x0  }
0x137: {  	[sflag:s16] =	ssyncadd.s32 $0xFFFFC000  }
0x138: {  	s7 =	smov.u32 s6;
	s6 =	sadd.s32 $0x100, s6;
	_ =	swait.ge [sflag:s18], $0x4000  }
0x139: {  	s8 =	smov.u32 s7;
	s9 =	rddreg [dreg:$0x4];
	[sflag:s18] =	ssyncset.done $0x0  }
0x13a: {  	[sflag:s18] =	ssyncadd.s32 $0xFFFFC000;
	s6 =	sadd.s32 s8, s9  }
0x13b: {  	[tilespmem:s3], [sflag:$0x5] =	stream.linear.gather [hbm4b:s6+s3], $0x800, $0x38;
	[tilespmem:$0x1D000] =	vst v63  }
0x13c: {  	_ =	swait.ge [sflag:s10], $0x800  }
0x13d: {  	s9 =	rddreg [dreg:$0x3];
	[sflag:s10] =	ssyncset.done $0x0  }
0x13e: {  	s6 =	sadd.s32 s8, s9;
	[sflag:s10] =	ssyncadd.s32 $0xFFFFF800  }
0x13f: {  	[tilespmem:s11], [sflag:$0x5] =	stream.linear.gather [hbm4b:s6+s3], $0x800, $0x38;
	[tilespmem:$0x1D000] =	vst v63  }
0x140: {  	_ =	swait.ge [sflag:s10], $0x800  }
0x141: {  	[sflag:s10] =	ssyncset.done $0x0  }
0x142: {  	[sflag:s10] =	ssyncadd.s32 $0xFFFFF800  }
0x143: {  	[tilespmem:s13], [sflag:$0x1] =	stream.indirect.gather [hbm4b:s4+s12], $0x80, s3, s12, $0xb8;
	[tilespmem:$0x1D000] =	vst v63  }
0x144: {  	_ = 	snop  }
0x145: {  	[tilespmem:s14], [sflag:$0x2] =	stream.indirect.gather [hbm4b:s4+s12], $0x80, s12, s12, $0xb8;
	[tilespmem:$0x1D000] =	vst v63  }
0x146: {  	_ =	swait.ge [sflag:s15], $0x4000  }
0x147: {  	[sflag:s15] =	ssyncset.done $0x0  }
0x148: {  	[sflag:s15] =	ssyncadd.s32 $0xFFFFC000  }
0x149: {  	[spmem:s1] =	stream.indirect.scatter.add.f32 [tilespmem:s13], [sflag:$0x3], $0x80, s11, s12, $0xb8;
	[tilespmem:$0x1D000] =	vst v63  }
0x14a: {  	_ =	swait.ge [sflag:s16], $0x4000  }
0x14b: {  	[sflag:s16] =	ssyncset.done $0x0  }
0x14c: {  	s7 =	rddreg [dreg:$0x5];
	[sflag:s16] =	ssyncadd.s32 $0xFFFFC000  }
0x14d: {  	[tilespmem:s13], [sflag:$0x1] =	stream.indirect.gather [hbm4b:s4+s12], $0x80, s7, s12, $0xb8;
	[tilespmem:$0x1D000] =	vst v63  }
0x14e: {  	_ =	swait.ge [sflag:s17], $0x4000  }
0x14f: {  	[sflag:s17] =	ssyncset.done $0x0  }
0x150: {  	s8 =	rddreg [dreg:$0x6];
	[sflag:s17] =	ssyncadd.s32 $0xFFFFC000  }
0x151: {  	[spmem:s1] =	stream.indirect.scatter.add.f32 [tilespmem:s14], [sflag:$0x4], $0x80, s8, s12, $0xb8;
	[tilespmem:$0x1D000] =	vst v63  }
0x152: {  	_ =	swait.ge [sflag:s18], $0x4000  }
0x153: {  	[sflag:s18] =	ssyncset.done $0x0  }
0x154: {  	s9 =	rddreg [dreg:$0x7];
	[sflag:s18] =	ssyncadd.s32 $0xFFFFC000  }
0x155: {  	[tilespmem:s14], [sflag:$0x2] =	stream.indirect.gather [hbm4b:s4+s12], $0x80, s9, s12, $0xb8;
	[tilespmem:$0x1D000] =	vst v63  }
0x156: {  	_ =	swait.ge [sflag:s15], $0x4000  }
0x157: {  	[sflag:s15] =	ssyncset.done $0x0  }
0x158: {  	s7 =	rddreg [dreg:$0x8];
	[sflag:s15] =	ssyncadd.s32 $0xFFFFC000  }
0x159: {  	[spmem:s1] =	stream.indirect.scatter.add.f32 [tilespmem:s13], [sflag:$0x3], $0x80, s7, s12, $0xb8;
	[tilespmem:$0x1D000] =	vst v63  }
0x15a: {  	_ =	swait.ge [sflag:s16], $0x4000  }
0x15b: {  	[sflag:s16] =	ssyncset.done $0x0  }
0x15c: {  	s8 =	rddreg [dreg:$0x9];
	[sflag:s16] =	ssyncadd.s32 $0xFFFFC000  }
0x15d: {  	[tilespmem:s13], [sflag:$0x1] =	stream.indirect.gather [hbm4b:s4+s12], $0x80, s8, s12, $0xb8;
	[tilespmem:$0x1D000] =	vst v63  }
0x15e: {  	_ =	swait.ge [sflag:s17], $0x4000  }
0x15f: {  	[sflag:s17] =	ssyncset.done $0x0  }
0x160: {  	s9 =	rddreg [dreg:$0xa];
	[sflag:s17] =	ssyncadd.s32 $0xFFFFC000  }
0x161: {  	[spmem:s1] =	stream.indirect.scatter.add.f32 [tilespmem:s14], [sflag:$0x4], $0x80, s9, s12, $0xb8;
	[tilespmem:$0x1D000] =	vst v63  }
0x162: {  	_ =	swait.ge [sflag:s18], $0x4000  }
0x163: {  	[sflag:s18] =	ssyncset.done $0x0  }
0x164: {  	s7 =	rddreg [dreg:$0xb];
	[sflag:s18] =	ssyncadd.s32 $0xFFFFC000  }
0x165: {  	[tilespmem:s14], [sflag:$0x2] =	stream.indirect.gather [hbm4b:s4+s12], $0x80, s7, s12, $0xb8;
	[tilespmem:$0x1D000] =	vst v63  }
0x166: {  	_ =	swait.ge [sflag:s15], $0x4000  }
0x167: {  	[sflag:s15] =	ssyncset.done $0x0  }
0x168: {  	s8 =	rddreg [dreg:$0xc];
	[sflag:s15] =	ssyncadd.s32 $0xFFFFC000  }
0x169: {  	[spmem:s1] =	stream.indirect.scatter.add.f32 [tilespmem:s13], [sflag:$0x3], $0x80, s8, s12, $0xb8;
	[tilespmem:$0x1D000] =	vst v63  }
0x16a: {  	_ =	swait.ge [sflag:s16], $0x4000  }
0x16b: {  	[sflag:s16] =	ssyncset.done $0x0  }
0x16c: {  	s9 =	rddreg [dreg:$0xd];
	[sflag:s16] =	ssyncadd.s32 $0xFFFFC000  }
0x16d: {  	[tilespmem:s13], [sflag:$0x1] =	stream.indirect.gather [hbm4b:s4+s12], $0x80, s9, s12, $0xb8;
	[tilespmem:$0x1D000] =	vst v63  }
0x16e: {  	_ =	swait.ge [sflag:s17], $0x4000  }
0x16f: {  	[sflag:s17] =	ssyncset.done $0x0  }
0x170: {  	s7 =	rddreg [dreg:$0xe];
	[sflag:s17] =	ssyncadd.s32 $0xFFFFC000  }
0x171: {  	[spmem:s1] =	stream.indirect.scatter.add.f32 [tilespmem:s14], [sflag:$0x4], $0x80, s7, s12, $0xb8;
	[tilespmem:$0x1D000] =	vst v63  }
0x172: {  	_ =	swait.ge [sflag:s18], $0x4000  }
0x173: {  	[sflag:s18] =	ssyncset.done $0x0  }
0x174: {  	s8 =	rddreg [dreg:$0xf];
	[sflag:s18] =	ssyncadd.s32 $0xFFFFC000  }
0x175: {  	[tilespmem:s14], [sflag:$0x2] =	stream.indirect.gather [hbm4b:s4+s12], $0x80, s8, s12, $0xb8;
	[tilespmem:$0x1D000] =	vst v63  }
0x176: {  	_ =	swait.ge [sflag:s15], $0x4000  }
0x177: {  	[sflag:s15] =	ssyncset.done $0x0  }
0x178: {  	s9 =	rddreg [dreg:$0x10];
	[sflag:s15] =	ssyncadd.s32 $0xFFFFC000  }
0x179: {  	[spmem:s1] =	stream.indirect.scatter.add.f32 [tilespmem:s13], [sflag:$0x3], $0x80, s9, s12, $0xb8;
	[tilespmem:$0x1D000] =	vst v63  }
0x17a: {  	_ =	swait.ge [sflag:s16], $0x4000  }
0x17b: {  	[sflag:s16] =	ssyncset.done $0x0  }
0x17c: {  	s7 =	rddreg [dreg:$0x11];
	[sflag:s16] =	ssyncadd.s32 $0xFFFFC000  }
0x17d: {  	[tilespmem:s13], [sflag:$0x1] =	stream.indirect.gather [hbm4b:s4+s12], $0x80, s7, s12, $0xb8;
	[tilespmem:$0x1D000] =	vst v63  }
0x17e: {  	_ =	swait.ge [sflag:s17], $0x4000  }
0x17f: {  	[sflag:s17] =	ssyncset.done $0x0  }
0x180: {  	s8 =	rddreg [dreg:$0x12];
	[sflag:s17] =	ssyncadd.s32 $0xFFFFC000  }
0x181: {  	[spmem:s1] =	stream.indirect.scatter.add.f32 [tilespmem:s14], [sflag:$0x4], $0x80, s8, s12, $0xb8;
	[tilespmem:$0x1D000] =	vst v63  }
0x182: {  	_ =	swait.ge [sflag:s18], $0x4000  }
0x183: {  	[sflag:s18] =	ssyncset.done $0x0  }
0x184: {  	[sflag:s18] =	ssyncadd.s32 $0xFFFFC000  }
0x185: {  	[tilespmem:s14], [sflag:$0x2] =	stream.indirect.gather [hbm4b:s4+s12], $0x80, s19, s12, $0xb8;
	[tilespmem:$0x1D000] =	vst v63  }
0x186: {  	_ =	swait.ge [sflag:s15], $0x4000  }
0x187: {  	[sflag:s15] =	ssyncset.done $0x0  }
0x188: {  	[sflag:s15] =	ssyncadd.s32 $0xFFFFC000  }
0x189: {  	[spmem:s1] =	stream.indirect.scatter.add.f32 [tilespmem:s13], [sflag:$0x3], $0x80, s20, s12, $0xb8;
	[tilespmem:$0x1D000] =	vst v63  }
0x18a: {  	_ =	swait.ge [sflag:s16], $0x4000  }
0x18b: {  	[sflag:s16] =	ssyncset.done $0x0  }
0x18c: {  	[sflag:s16] =	ssyncadd.s32 $0xFFFFC000  }
0x18d: {  	[tilespmem:s13], [sflag:$0x1] =	stream.indirect.gather [hbm4b:s4+s12], $0x80, s21, s12, $0xb8;
	[tilespmem:$0x1D000] =	vst v63  }
0x18e: {  	_ =	swait.ge [sflag:s17], $0x4000  }
0x18f: {  	[sflag:s17] =	ssyncset.done $0x0  }
0x190: {  	[sflag:s17] =	ssyncadd.s32 $0xFFFFC000  }
0x191: {  	[spmem:s1] =	stream.indirect.scatter.add.f32 [tilespmem:s14], [sflag:$0x4], $0x80, s22, s12, $0xb8;
	[tilespmem:$0x1D000] =	vst v63  }
0x192: {  	_ =	swait.ge [sflag:s18], $0x4000  }
0x193: {  	[sflag:s18] =	ssyncset.done $0x0  }
0x194: {  	[sflag:s18] =	ssyncadd.s32 $0xFFFFC000  }
0x195: {  	[tilespmem:s14], [sflag:$0x2] =	stream.indirect.gather [hbm4b:s4+s12], $0x80, s23, s12, $0xb8;
	[tilespmem:$0x1D000] =	vst v63  }
0x196: {  	_ =	swait.ge [sflag:s15], $0x4000  }
0x197: {  	[sflag:s15] =	ssyncset.done $0x0  }
0x198: {  	[sflag:s15] =	ssyncadd.s32 $0xFFFFC000  }
0x199: {  	[spmem:s1] =	stream.indirect.scatter.add.f32 [tilespmem:s13], [sflag:$0x3], $0x80, s24, s12, $0xb8;
	[tilespmem:$0x1D000] =	vst v63  }
0x19a: {  	_ =	swait.ge [sflag:s16], $0x4000  }
0x19b: {  	[sflag:s16] =	ssyncset.done $0x0  }
0x19c: {  	[sflag:s16] =	ssyncadd.s32 $0xFFFFC000  }
0x19d: {  	[tilespmem:s13], [sflag:$0x1] =	stream.indirect.gather [hbm4b:s4+s12], $0x80, s25, s12, $0xb8;
	[tilespmem:$0x1D000] =	vst v63  }
0x19e: {  	_ =	swait.ge [sflag:s17], $0x4000  }
0x19f: {  	[sflag:s17] =	ssyncset.done $0x0  }
0x1a0: {  	[sflag:s17] =	ssyncadd.s32 $0xFFFFC000  }
0x1a1: {  	[spmem:s1] =	stream.indirect.scatter.add.f32 [tilespmem:s14], [sflag:$0x4], $0x80, s26, s12, $0xb8;
	[tilespmem:$0x1D000] =	vst v63  }
0x1a2: {  	_ =	swait.ge [sflag:s18], $0x4000  }
0x1a3: {  	[sflag:s18] =	ssyncset.done $0x0  }
0x1a4: {  	[sflag:s18] =	ssyncadd.s32 $0xFFFFC000  }
0x1a5: {  	[tilespmem:s14], [sflag:$0x2] =	stream.indirect.gather [hbm4b:s4+s12], $0x80, s28, s12, $0xb8;
	[tilespmem:$0x1D000] =	vst v63  }
0x1a6: {  	_ =	swait.ge [sflag:s15], $0x4000  }
0x1a7: {  	[sflag:s15] =	ssyncset.done $0x0  }
0x1a8: {  	[sflag:s15] =	ssyncadd.s32 $0xFFFFC000  }
0x1a9: {  	[spmem:s1] =	stream.indirect.scatter.add.f32 [tilespmem:s13], [sflag:$0x3], $0x80, s29, s12, $0xb8;
	[tilespmem:$0x1D000] =	vst v63  }
0x1aa: {  	_ =	swait.ge [sflag:s16], $0x4000  }
0x1ab: {  	[sflag:s16] =	ssyncset.done $0x0  }
0x1ac: {  	[sflag:s16] =	ssyncadd.s32 $0xFFFFC000  }
0x1ad: {  	[tilespmem:s13], [sflag:$0x1] =	stream.indirect.gather [hbm4b:s4+s12], $0x80, s30, s12, $0xb8;
	[tilespmem:$0x1D000] =	vst v63  }
0x1ae: {  	_ =	swait.ge [sflag:s17], $0x4000  }
0x1af: {  	[sflag:s17] =	ssyncset.done $0x0  }
0x1b0: {  	[sflag:s17] =	ssyncadd.s32 $0xFFFFC000  }
0x1b1: {  	[spmem:s1] =	stream.indirect.scatter.add.f32 [tilespmem:s14], [sflag:$0x4], $0x80, s31, s12, $0xb8;
	[tilespmem:$0x1D000] =	vst v63  }
0x1b2: {  	_ =	swait.ge [sflag:s18], $0x4000  }
0x1b3: {  	[sflag:s18] =	ssyncset.done $0x0  }
0x1b4: {  	[sflag:s18] =	ssyncadd.s32 $0xFFFFC000  }
0x1b5: {  	[tilespmem:s14], [sflag:$0x2] =	stream.indirect.gather [hbm4b:s4+s12], $0x80, s0, s12, $0xb8;
	[tilespmem:$0x1D000] =	vst v63  }
0x1b6: {  	_ =	swait.ge [sflag:s15], $0x4000  }
0x1b7: {  	[sflag:s15] =	ssyncset.done $0x0  }
0x1b8: {  	[sflag:s15] =	ssyncadd.s32 $0xFFFFC000  }
0x1b9: {  	[spmem:s1] =	stream.indirect.scatter.add.f32 [tilespmem:s13], [sflag:$0x3], $0x80, s2, s12, $0xb8;
	[tilespmem:$0x1D000] =	vst v63  }
0x1ba: {  	_ =	swait.ge [sflag:s17], $0x4000  }
0x1bb: {  	[sflag:s17] =	ssyncset.done $0x0  }
0x1bc: {  	[sflag:s17] =	ssyncadd.s32 $0xFFFFC000  }
0x1bd: {  	[spmem:s1] =	stream.indirect.scatter.add.f32 [tilespmem:s14], [sflag:$0x4], $0x80, s5, s12, $0xb8;
	[tilespmem:$0x1D000] =	vst v63  }
0x1be: {  	_ =	swait.ge [sflag:s16], $0x4000  }
0x1bf: {  	[sflag:s16] =	ssyncset.done $0x0  }
0x1c0: {  	[sflag:s16] =	ssyncadd.s32 $0xFFFFC000  }
0x1c1: {  	_ =	swait.ge [sflag:s18], $0x4000  }
0x1c2: {  	[sflag:s18] =	ssyncset.done $0x0  }
0x1c3: {  	[sflag:s18] =	ssyncadd.s32 $0xFFFFC000  }
0x1c4: {  	[bflag:$0x0] =	sbarrier.arrive $0xFFFF  }
0x1c5: {  	s7 =	rddreg [dreg:$0x14]  }
0x1c6: {  	s9 =	rddreg [dreg:$0x15]  }
0x1c7: {  	s8 =	rddreg [dreg:$0x17]  }
0x1c8: {  	[hbm:s9], [sflag:s7] =	dma.local [spmem:s8], $0x2800  }
0x1c9: {  	_ =	swait.ge [sflag:s10], $0x2800  }
0x1ca: {  	s6 =	rddreg [dreg:$0x18]  }
0x1cb: {  	s9 =	sadd.s32 $0x1, s6;
	s6 =	rddreg [dreg:$0x16]  }
0x1cc: {  	p0 =	sne.s32 s9, s6  }
.Ltmp1:
0x1cd: {  	_ = 	snop;
	(pc) =	sbr.rel @p0 .LBB2_1-.Ltmp1, $3  }
0x1ce: {  	_ =	sdelay $0x1  }
0x1cf: {  	[sflag:s10] =	ssyncset.done $0x0  }
0x1d0: {  	[sflag:s10] =	ssyncadd.s32 $0xFFFFD800  }
0x1d1: {  	_ =	sfence.sel $0x180000  }
0x1d2: {  	[bflag:$0x0] =	sbarrier.arrive $0xFFFF  }
0x1d3: {  	_ =	strace $0x9000004A  }
0x1d4: {  	s0 =	stileid.u32;
	[bflag:$0x2] =	sbarrier.arrive $0xFFFF  }
0x1d5: {  	p0 =	sne.s32 s0, $0x0;
	s0 =	rddreg [dreg:$0x2]  }
0x1d6: {  	s0 =	sadd.s32 @!p0 $0x100000, s0  }
0x1d7: {  	[sflag:s0] =	ssyncadd.tile.s32 @!p0 $0x1;
	_ =	shalt  }
.Lfunc_end2:
_tile_overlayer_lowered:
.L_overlay_start_2:
0x1d8: {  	(tag) =	ssettag $0x2  }
0x1d9: {  	s0 =	rddreg [dreg:$0x0];
	s2 =	stileid.u32  }
0x1da: {  	s1 =	rddreg [dreg:$0x1];
	p0 =	sne.s32 s2, $0x0  }
0x1db: {  	s3 =	rddreg [dreg:$0x2];
	[bflag:$0x3] =	sbarrier.arrive $0xFFFF;
	s2 =	simm.s32 @!p0 $0x1C05  }
0x1dc: {  	[timem:s3], [sflag:s2] =	dma.local @!p0 [hbm:s0], s1  }
0x1dd: {  	s0 =	simm.s32 @!p0 $0x5  }
0x1de: {  	_ =	swait.ge @!p0 [sflag:s0], s1  }
0x1df: {  	s1 =	ssub.s32 @!p0 $0x0, s1;
	[sflag:s0] =	ssyncset.done @!p0 $0x0  }
0x1e0: {  	[sflag:s0] =	ssyncadd.s32 @!p0 s1  }
0x1e1: {  	[bflag:$0x3] =	sbarrier.arrive $0xFFFF  }
0x1e2: {  	_ =	shalt  }

// kernel: kernel.7.cloned.1.call-start
scs
__scs_entry_jumppad:
0x0: {  	(pc) =	sbr.rel $0x88, $3  }
0x1: {  	(tag) =	ssettag $0x0;
	lr =	simm.s32 $0x1  }
0x2: {  	[smem:$0x3F8F] =	sst lr;
	_ =	strace $0xD0000000  }
0x3: {  	_ = 	snop  }
0x4: {  	_ = 	snop  }
0x5: {  	_ = 	snop  }
0x6: {  	_ = 	snop  }
0x7: {  	_ = 	snop  }
__scs_overlays_trampoline_lowered:
0x8: {  	[smem:$0x3F9E] =	sst s0  }
0x9: {  	[smem:$0x3F9F] =	sst s1  }
0xa: {  	[smem:$0x3FA0] =	sst s2  }
0xb: {  	[smem:$0x3FA1] =	sst s3  }
0xc: {  	[smem:$0x3FA2] =	sst s4  }
0xd: {  	[smem:$0x3FA3] =	sst s5  }
0xe: {  	[smem:$0x3FA4] =	sst s6  }
0xf: {  	[smem:$0x3FA5] =	sst s7  }
0x10: {  	[smem:$0x3FA6] =	sst s8  }
0x11: {  	[smem:$0x3FA7] =	sst s9;
	s0 =	simm.s32 @!p0 $0x0  }
0x12: {  	s1 =	sld [smem:$0x3F8D];
	s0 =	simm.s32 @p0 $0x1  }
0x13: {  	[smem:$0x3FA8] =	sst s0;
	s0 =	simm.s32 @!p1 $0x0  }
0x14: {  	s2 =	sld [smem:$0x3F8C];
	s0 =	simm.s32 @p1 $0x1  }
0x15: {  	[smem:$0x3FA9] =	sst s0;
	s0 =	simm.s32 @!p2 $0x0  }
0x16: {  	s3 =	sld [smem:$0x3FDB];
	s0 =	simm.s32 @p2 $0x1  }
0x17: {  	s4 =	simm.s32 $0x1BF5;
	[smem:$0x3FAB] =	sst s0  }
0x18: {  	s0 =	sld [smem:$0x3F8E];
	_ =	swait.ge [sflag:s4], $0x0  }
0x19: {  	s7 =	sld [smem:$0x3F8F]  }
0x1a: {  	s8 =	sadd.s32 $0xFFFFE003, lr  }
0x1b: {  	s9 =	sadd.s32 $0xFFFFFEF7, lr;
	s5 =	simm.s32 $0xFFFFFFFF;
	p2 =	slt.u32 s8, $0xFFFFF086  }
0x1c: {  	p1 =	slt.u32 s9, $0xF7A;
	s5 =	simm.s32 @!p2 $0x0  }
0x1d: {  	s5 =	simm.s32 @p1 $0x1;
	p0 =	seq.s32 s7, s2  }
0x1e: {  	s7 =	smul.u32 @!p0 $0xF7A, s2;
	p2 =	seq.s32 @!p0 s5, $0x0  }
0x1f: {  	s9 =	smul.u32 $0xF7A, s1;
	s8 =	simm.s32 @!p0 $0x1BF5;
	p2 =	por !p2, p0  }
0x20: {  	[sflag:s8] =	ssyncset.s32 @!p0 $0xFFFFF086;
	s6 =	sadd.s32 @!p0 s3, s7;
	s7 =	simm.s32 @!p0 $0x108  }
0x21: {  	s3 =	sadd.s32 s3, s9;
	s6 =	sadd.s32 @!p0 $0x88, s6;
	s7 =	simm.s32 @p2 $0x1082  }
0x22: {  	[simem:s7], [sflag:s8] =	dma.local @!p0 [hbm:s6], $0xF7A  }
0x23: {  	s9 =	sor.u32 $0xD0000000, s2;
	s6 =	simm.s32 $0x108;
	_ =	swait.ge @!p0 [sflag:s8], $0x0  }
0x24: {  	s3 =	sadd.s32 $0x88, s3;
	s6 =	simm.s32 @!p1 $0x1082;
	[sflag:s4] =	ssyncset.s32 $0xFFFFF086  }
0x25: {  	[simem:s6], [sflag:s4] =	dma.local [hbm:s3], $0xF7A  }
0x26: {  	[smem:$0x3F8F] =	sst s1;
	(tag) =	ssettag s2;
	_ =	strace s9  }
0x27: {  	s1 =	sld [smem:$0x3F9F]  }
0x28: {  	s2 =	sld [smem:$0x3FA0]  }
0x29: {  	s4 =	sld [smem:$0x3FA2]  }
0x2a: {  	p0 =	seq.s32 s5, $0x0;
	s5 =	sld [smem:$0x3FA3]  }
0x2b: {  	s6 =	sld [smem:$0x3FA4]  }
0x2c: {  	s7 =	sld [smem:$0x3FA5]  }
0x2d: {  	s3 =	simm.s32 $0x108;
	s8 =	sld [smem:$0x3FA6]  }
0x2e: {  	s3 =	simm.s32 @!p0 $0x1082;
	s9 =	sld [smem:$0x3FA7]  }
0x2f: {  	lr =	sadd.s32 s0, s3;
	s0 =	sld [smem:$0x3F9E]  }
0x30: {  	s3 =	sld [smem:$0x3FA1]  }
0x31: {  	[smem:$0x3FAA] =	sst s10  }
0x32: {  	s10 =	sld [smem:$0x3FA8];
	_ =	sdelay $0x3  }
0x33: {  	p0 =	seq.s32 s10, $0x1;
	s10 =	sld [smem:$0x3FAA];
	_ =	sdelay $0x3  }
0x34: {  	[smem:$0x3FAA] =	sst s10  }
0x35: {  	s10 =	sld [smem:$0x3FA9];
	_ =	sdelay $0x3  }
0x36: {  	p1 =	seq.s32 s10, $0x1;
	s10 =	sld [smem:$0x3FAA];
	_ =	sdelay $0x3  }
0x37: {  	[smem:$0x3FAA] =	sst s10  }
0x38: {  	s10 =	sld [smem:$0x3FAB]  }
0x39: {  	_ = 	snop;
	(pc) =	sbr.ind lr, $3  }
0x3a: {  	_ = 	snop  }
0x3b: {  	_ = 	snop  }
0x3c: {  	p2 =	seq.s32 s10, $0x1;
	s10 =	sld [smem:$0x3FAA]  }
0x3d: {  	_ =	shalt  }
0x3e: {  	_ =	shalt  }
0x3f: {  	_ =	shalt  }
0x40: {  	_ =	shalt  }
0x41: {  	_ =	shalt  }
0x42: {  	_ =	shalt  }
0x43: {  	_ =	shalt  }
0x44: {  	_ =	shalt  }
0x45: {  	_ =	shalt  }
0x46: {  	_ =	shalt  }
0x47: {  	_ =	shalt  }
0x48: {  	_ =	shalt  }
0x49: {  	_ =	shalt  }
0x4a: {  	_ =	shalt  }
0x4b: {  	_ =	shalt  }
0x4c: {  	_ =	shalt  }
0x4d: {  	_ =	shalt  }
0x4e: {  	_ =	shalt  }
0x4f: {  	_ =	shalt  }
0x50: {  	_ =	shalt  }
0x51: {  	_ =	shalt  }
0x52: {  	_ =	shalt  }
0x53: {  	_ =	shalt  }
0x54: {  	_ =	shalt  }
0x55: {  	_ =	shalt  }
0x56: {  	_ =	shalt  }
0x57: {  	_ =	shalt  }
0x58: {  	_ =	shalt  }
0x59: {  	_ =	shalt  }
0x5a: {  	_ =	shalt  }
0x5b: {  	_ =	shalt  }
0x5c: {  	_ =	shalt  }
0x5d: {  	_ =	shalt  }
0x5e: {  	_ =	shalt  }
0x5f: {  	_ =	shalt  }
0x60: {  	_ =	shalt  }
0x61: {  	_ =	shalt  }
0x62: {  	_ =	shalt  }
0x63: {  	_ =	shalt  }
0x64: {  	_ =	shalt  }
0x65: {  	_ =	shalt  }
0x66: {  	_ =	shalt  }
0x67: {  	_ =	shalt  }
0x68: {  	_ =	shalt  }
0x69: {  	_ =	shalt  }
0x6a: {  	_ =	shalt  }
0x6b: {  	_ =	shalt  }
0x6c: {  	_ =	shalt  }
0x6d: {  	_ =	shalt  }
0x6e: {  	_ =	shalt  }
0x6f: {  	_ =	shalt  }
0x70: {  	_ =	shalt  }
0x71: {  	_ =	shalt  }
0x72: {  	_ =	shalt  }
0x73: {  	_ =	shalt  }
0x74: {  	_ =	shalt  }
0x75: {  	_ =	shalt  }
0x76: {  	_ =	shalt  }
0x77: {  	_ =	shalt  }
0x78: {  	_ =	shalt  }
0x79: {  	_ =	shalt  }
0x7a: {  	_ =	shalt  }
0x7b: {  	_ =	shalt  }
0x7c: {  	_ =	shalt  }
0x7d: {  	_ =	shalt  }
0x7e: {  	_ =	shalt  }
0x7f: {  	_ =	shalt  }
0x80: {  	_ =	shalt  }
0x81: {  	_ =	shalt  }
0x82: {  	_ =	shalt  }
0x83: {  	_ =	shalt  }
0x84: {  	_ =	shalt  }
0x85: {  	_ =	shalt  }
0x86: {  	_ =	shalt  }
0x87: {  	_ =	shalt  }
.Lfunc_end0:
.L_simem_size_0:
called_computation_lowered:
.L_overlay_start_0:
0x88: {  	s2 =	sld [smem:$0x3FD9]  }
0x89: {  	s3 =	sld [smem:$0x3FFE];
	_ =	sdelay $0x1  }
0x8a: {  	s1 =	srdreg.scid  }
0x8b: {  	s0 =	sand.u32 $0x1, s1  }
0x8c: {  	s16 =	sshll.u32 s0, $0xA;
	s2 =	sadd.s32 s3, s2  }
0x8d: {  	s2 =	sadd.s32 s2, s16  }
0x8e: {  	[smem:$0x3FB6] =	sst s2  }
0x8f: {  	_ = 	snop  }
0x90: {  	(tm) =	ssettm $0x1  }
0x91: {  	s17 =	sld [smem:$0x3FFB];
	_ =	sdelay $0x3  }
0x92: {  	_ =	strace s17  }
0x93: {  	s2 =	sld [smem:$0x3FFC];
	_ =	sdelay $0x3  }
0x94: {  	_ =	strace s2  }
0x95: {  	s2 =	sld [smem:$0x3FFD];
	_ =	sdelay $0x3  }
0x96: {  	_ =	strace s2  }
0x97: {  	_ =	strace $0x8FFFFFFF  }
0x98: {  	s18 =	sld [smem:$0x3FDB];
	_ =	sdelay $0x1  }
0x99: {  	s19 =	simm.s32 $_scs_section_size  }
0x9a: {  	s4 =	simm.s32 $_size__tile_overlayer_lowered;
	s5 =	simm.s32 $_tile_overlayer_lowered  }
0x9b: {  	s22 =	simm.s32 $0x1BFF;
	s21 =	sshll.u32 s5, $0x1;
	s2 =	sadd.s32 s19, s18  }
0x9c: {  	s6 =	simm.s32 $0x0;
	s20 =	sshll.u32 s4, $0x1;
	s4 =	sadd.s32 s21, s2  }
0x9d: {  	[timem:s6], [sflag:s22] =	dma.local [hbm:s4], s20  }
0x9e: {  	_ =	swait.ge [sflag:s22], s20  }
0x9f: {  	s3 =	ssub.s32 $0x0, s20;
	[sflag:s22] =	ssyncset.done $0x0  }
0xa0: {  	[sflag:s22] =	ssyncadd.s32 s3;
	_ =	sdelay $0x1  }
0xa1: {  	s23 =	simm.s32 $0x1B8B  }
0xa2: {  	_ =	swait.ge [sflag:s23], $0x1  }
0xa3: {  	[sflag:s23] =	ssyncset.done $0x0  }
0xa4: {  	s25 =	simm.s32 $0x1B8E;
	s24 =	sld [smem:$0x3FFE];
	[sflag:s23] =	ssyncadd.s32 $0xFFFFFFFF  }
0xa5: {  	s26 =	simm.s32 $execute0_lowered;
	[smem:$0x3FD2] =	sst s25  }
0xa6: {  	s4 =	sshll.u32 s26, $0x1;
	_ =	strace $0x80000046;
	[dreg:$0x1] =	wrdreg $0xFFFFFFFF  }
0xa7: {  	s28 =	simm.s32 $_size_execute0_lowered;
	s2 =	sadd.s32 s2, s4;
	[dreg:$0x0] =	wrdreg $0x0  }
0xa8: {  	s4 =	sshll.u32 s28, $0x1;
	[dreg:$0x2] =	wrdreg s2  }
0xa9: {  	[dreg:$0x3] =	wrdreg s4  }
0xaa: {  	[dreg:$0x4] =	wrdreg $0xC0  }
0xab: {  	_ =	task [dreg:s6], $0x5FFFF  }
0xac: {  	[dreg:$0x1] =	wrdreg $0xFFFFFFFF  }
0xad: {  	[dreg:$0x0] =	wrdreg $0x60  }
0xae: {  	[dreg:$0x2] =	wrdreg s24  }
0xaf: {  	[dreg:$0x3] =	wrdreg $0x9  }
0xb0: {  	_ =	task.clear_ibuf [dreg:s6], $0x4FFFF;
	_ =	strace $0x90000046  }
0xb1: {  	s29 =	simm.s32 $0x9;
	_ =	strace $0x80000048  }
0xb2: {  	_ =	swait.ge [sflag:s29], $0x1  }
0xb3: {  	[sflag:s29] =	ssyncadd.s32 $0xFFFFFFFF  }
0xb4: {  	_ =	strace $0x90000048  }
0xb5: {  	_ =	sfence  }
0xb6: {  	s30 =	sld [smem:$0x0];
	_ =	sdelay $0x2  }
0xb7: {  	s31 =	sshll.u32 s1, $0xD;
	s1 =	sshrl.u32 s1, $0x2  }
0xb8: {  	s3 =	sand.u32 $0x4000, s31;
	s1 =	sadd.s32 s1, s30  }
0xb9: {  	s0 =	sor.u32 s3, s0;
	s1 =	sshll.u32 s1, $0x11  }
0xba: {  	s0 =	sor.u32 s1, s0  }
0xbb: {  	s0 =	sadd.s32 $0x8F2B, s0  }
0xbc: {  	[sflag:s0] =	ssyncadd.remote.s32 $0x1  }
0xbd: {  	_ =	sfence.sel $0xFFFF  }
0xbe: {  	[dreg:$0x0] =	wrdreg $0xFFFFFFFF;
	(pc) =	sbr.abs _section_cstart, $3  }
0xbf: {  	[dreg:$0x1] =	wrdreg $0xFFFFFFFF  }
0xc0: {  	_ =	task.clear_ibuf [dreg:s6], $0x2FFFF;
	_ =	strace $0x9FFFFFFF  }
0xc1: {  	(tm) =	ssettm $0x7FFFFFFF  }
tec
execute0_lowered:
.L_overlay_start_1:
0x0: {  	(tag) =	ssettag $0x1  }
0x1: {  	s0 =	srdreg.scid  }
0x2: {  	s5 =	rddreg [dreg:$0x0];
	s3 =	sand.u32 $0x1, s0  }
0x3: {  	s2 =	simm.s32 $0x0;
	s0 =	stileid.u32;
	s1 =	sshll.u32 s3, $0x4  }
0x4: {  	s8 =	simm.s32 $0x80;
	s9 =	simm.s32 $0x400;
	s4 =	sor.u32 s0, s1  }
0x5: {  	s10 =	simm.s32 $0x0;
	[smem:$0x7FF] =	sst s2;
	s1 =	sshrl.u32 s4, $0x3  }
0x6: {  	s7 =	sshll.u32 s0, $0x7;
	s3 =	ssub.s32 $0x2, s3;
	s6 =	smul.u32 $0x14000, s1  }
0x7: {  	s7 =	sand.u32 $0x380, s7;
	s31 =	sshrl.u32 s3, $0x1;
	s4 =	smul.u32 $0x500, s4  }
0x8: {  	s1 =	rddreg [dreg:$0x1];
	_ =	strace $0x80000047;
	s6 =	sor.u32 s7, s6  }
0x9: {  	s4 =	sadd.s32 s4, s5;
	s7 =	simm.s32 $0x2800;
	s6 =	sshrl.u32 s6, $0x3  }
0xa: {  	s5 =	sadd.s32 s6, s5;
	s6 =	ssub.s32 s3, s31;
	s3 =	sadd.s32 $0x3A00, s4  }
0xb: {  	v0 =	vimm.f32 $0.0e+00;
	v1 =	vimm.f32 $1.000000000e+00;
	s4 =	sadd.s32 $0x17A00, s5;
	s5 =	smax.u32 s6, $0x1;
	s6 =	simm.s32 $0x1  }
.LBB2_1:
0xc: {  	[tilespmem:s2], [sflag:$0x1] =	stream.linear.gather [hbm4b:s3+s2], $0x2800, $0x38;
	[tilespmem:$0x5000] =	vst v63  }
0xd: {  	_ =	swait.ge [sflag:s6], $0x2800  }
0xe: {  	[sflag:s6] =	ssyncset.done $0x0  }
0xf: {  	s11 =	simm.s32 $0x0;
	[sflag:s6] =	ssyncadd.s32 $0xFFFFD800  }
.LBB2_2:
0x10: {  	p0 =	sne.s32 s11, $0x9FC0  }
.Ltmp0:
0x11: {  	_ = 	snop;
	(pc) =	sbr.rel @p0 .LBB2_2-.Ltmp0, $3  }
0x12: {  	_ =	sdelay $0x1  }
0x13: {  	s12 =	sshra.s32 s11, $0x2  }
0x14: {  	s11 =	sadd.s32 $0x40, s11;
	[tilespmem:s12+$0x2800] =	vst v0  }
0x15: {  	s11 =	simm.s32 $0x1C0  }
.LBB2_4:
0x16: {  	s12 =	sshra.s32 s11, $0x2  }
0x17: {  	v2 =	vld [tilespmem:s12+$0xFFFFFF90];
	_ =	sdelay $0x7  }
0x18: {  	[tilespmem:v2+s7+$0x0] =	vst.idx.add.f32.msk $0xffff, v1  }
0x19: {  	v2 =	vld [tilespmem:s12+$0xFFFFFFA0];
	_ =	sdelay $0x7  }
0x1a: {  	[tilespmem:v2+s7+$0x0] =	vst.idx.add.f32.msk $0xffff, v1  }
0x1b: {  	v2 =	vld [tilespmem:s12+$0xFFFFFFB0];
	_ =	sdelay $0x7  }
0x1c: {  	[tilespmem:v2+s7+$0x0] =	vst.idx.add.f32.msk $0xffff, v1  }
0x1d: {  	v2 =	vld [tilespmem:s12+$0xFFFFFFC0];
	_ =	sdelay $0x7  }
0x1e: {  	[tilespmem:v2+s7+$0x0] =	vst.idx.add.f32.msk $0xffff, v1  }
0x1f: {  	v2 =	vld [tilespmem:s12+$0xFFFFFFD0];
	_ =	sdelay $0x7  }
0x20: {  	[tilespmem:v2+s7+$0x0] =	vst.idx.add.f32.msk $0xffff, v1  }
0x21: {  	v2 =	vld [tilespmem:s12+$0xFFFFFFE0];
	_ =	sdelay $0x7  }
0x22: {  	[tilespmem:v2+s7+$0x0] =	vst.idx.add.f32.msk $0xffff, v1  }
0x23: {  	v2 =	vld [tilespmem:s12+$0xFFFFFFF0];
	_ =	sdelay $0x7  }
0x24: {  	[tilespmem:v2+s7+$0x0] =	vst.idx.add.f32.msk $0xffff, v1  }
0x25: {  	v2 =	vld [tilespmem:s12+$0x0];
	_ =	sdelay $0x2  }
0x26: {  	p0 =	sne.s32 s11, $0x9FC0  }
.Ltmp1:
0x27: {  	_ = 	snop;
	(pc) =	sbr.rel @p0 .LBB2_4-.Ltmp1, $2  }
0x28: {  	_ =	sdelay $0x2  }
0x29: {  	s11 =	sadd.s32 $0x200, s11;
	[tilespmem:v2+s7+$0x0] =	vst.idx.add.f32.msk $0xffff, v1  }
0x2a: {  	s10 =	sadd.s32 $0x1, s10  }
0x2b: {  	p0 =	sne.s32 s10, s5  }
.Ltmp2:
0x2c: {  	_ = 	snop;
	(pc) =	sbr.rel @p0 .LBB2_1-.Ltmp2, $4  }
0x2d: {  	[hbm4b:s4+s8] =	stream.strided.scatter [tilespmem:s7], [sflag:$0x1], $0x2800, s9, s8, $0x38;
	[tilespmem:$0x5000] =	vst v63  }
0x2e: {  	_ =	swait.ge [sflag:s6], $0x2800  }
0x2f: {  	[sflag:s6] =	ssyncset.done $0x0  }
0x30: {  	[sflag:s6] =	ssyncadd.s32 $0xFFFFD800  }
0x31: {  	_ =	sfence.sel $0x180000  }
0x32: {  	[bflag:$0x0] =	sbarrier.arrive $0xFFFF  }
0x33: {  	p0 =	sne.s32 s0, $0x0;
	_ =	strace $0x90000047  }
0x34: {  	s0 =	sadd.s32 @!p0 $0x100000, s1;
	[bflag:$0x2] =	sbarrier.arrive $0xFFFF  }
0x35: {  	[sflag:s0] =	ssyncadd.tile.s32 @!p0 $0x1;
	_ =	shalt  }
.Lfunc_end2:
_tile_overlayer_lowered:
.L_overlay_start_2:
0x36: {  	(tag) =	ssettag $0x2  }
0x37: {  	s0 =	rddreg [dreg:$0x0];
	s2 =	stileid.u32  }
0x38: {  	s1 =	rddreg [dreg:$0x1];
	p0 =	sne.s32 s2, $0x0  }
0x39: {  	s3 =	rddreg [dreg:$0x2];
	[bflag:$0x3] =	sbarrier.arrive $0xFFFF;
	s2 =	simm.s32 @!p0 $0x1C01  }
0x3a: {  	[timem:s3], [sflag:s2] =	dma.local @!p0 [hbm:s0], s1  }
0x3b: {  	s0 =	simm.s32 @!p0 $0x1  }
0x3c: {  	_ =	swait.ge @!p0 [sflag:s0], s1  }
0x3d: {  	s1 =	ssub.s32 @!p0 $0x0, s1;
	[sflag:s0] =	ssyncset.done @!p0 $0x0  }
0x3e: {  	[sflag:s0] =	ssyncadd.s32 @!p0 s1  }
0x3f: {  	[bflag:$0x3] =	sbarrier.arrive $0xFFFF  }
0x40: {  	_ =	shalt  }

</sc_bundles>
